<compile_context>
chip_gen: v7x
topology: tpu7x:2x2x1
jax: 0.10.2.dev20260603
libtpu: 0.0.44.dev20260713+nightly
codegen_flags: <defaults>
</compile_context>

<pallas_src>
import functools

import jax
import jax.numpy as jnp
from jax import lax
from jax.experimental import pallas as pl
from jax.experimental.pallas import tpu as pltpu
from jax.experimental.pallas import tpu_sc as plsc

N = 10000
E = 320000
D_FEAT = 128
NHID = 32
LATENT = 16
K = 5

NP = 10240
RPT = NP // 16
C = 128
EPAD = 327680
C1 = 64
NCH1 = EPAD // 16 // C
NCHW = EPAD // 16 // C1
NCH2 = EPAD // 32 // C
W1COL = 144
MSPLIT = W1COL - NHID
KH = K * NHID

_MESH = plsc.VectorSubcoreMesh(
    core_axis_name="c", subcore_axis_name="s", num_cores=2, num_subcores=16
)
_SC_PARAMS = pltpu.CompilerParams(use_tc_tiling_on_sc=False)



@functools.partial(
    pl.kernel,
    out_type=jax.ShapeDtypeStruct((2 * NP, 8), jnp.float32),
    mesh=_MESH,
    compiler_params=_SC_PARAMS,
    scratch_types=[
        pltpu.VMEM((C,), jnp.int32),
        pltpu.VMEM((C,), jnp.int32),
        pltpu.VMEM((C, 8), jnp.float32),
        pltpu.VMEM_SHARED((NP, 8), jnp.float32),
        pltpu.SemaphoreType.DMA,
        pltpu.SemaphoreType.DMA,
    ],
)
def _sc_degree(idxq_hbm, ones_hbm, zeros_hbm, out_hbm,
               idx0, idx1, ones_v, acc, sem0, sem1):
    c = lax.axis_index("c")
    s = lax.axis_index("s")
    idxs = [idx0, idx1]
    sems = [sem0, sem1]
    pltpu.sync_copy(zeros_hbm, acc.at[pl.ds(s * RPT, RPT)])
    pltpu.sync_copy(ones_hbm, ones_v)
    plsc.subcore_barrier()
    qbase = (c * 16 + s) * NCH1
    for b in range(2):
        pltpu.async_copy(idxq_hbm.at[qbase + b], idxs[b], sems[b])

    def body2(j, carry):
        i0 = j * 2
        for b in range(2):
            i = i0 + b
            pltpu.make_async_copy(idxq_hbm.at[qbase + i], idxs[b], sems[b]).wait()
            pltpu.sync_copy(ones_v, acc.at[idxs[b]], add=True)

            @pl.when(i + 2 < NCH1)
            def _():
                pltpu.async_copy(idxq_hbm.at[qbase + i + 2], idxs[b], sems[b])
        return carry

    lax.fori_loop(0, NCH1 // 2, body2, 0)
    plsc.subcore_barrier()
    pltpu.sync_copy(
        acc.at[pl.ds(s * RPT, RPT)], out_hbm.at[pl.ds(c * NP + s * RPT, RPT)]
    )


@functools.partial(
    pl.kernel,
    out_type=jax.ShapeDtypeStruct((2 * NP, W1COL), jnp.float32),
    mesh=_MESH,
    compiler_params=_SC_PARAMS,
    scratch_types=[
        pltpu.VMEM((C1,), jnp.int32),
        pltpu.VMEM((C1,), jnp.int32),
        pltpu.VMEM((C1,), jnp.int32),
        pltpu.VMEM((C1,), jnp.int32),
        pltpu.VMEM((C1,), jnp.int32),
        pltpu.VMEM((C1,), jnp.int32),
        pltpu.VMEM((C1,), jnp.int32),
        pltpu.VMEM((C1,), jnp.int32),
        pltpu.VMEM((C1, W1COL), jnp.float32),
        pltpu.VMEM((C1, W1COL), jnp.float32),
        pltpu.VMEM((C1, W1COL), jnp.float32),
        pltpu.VMEM((C1, W1COL), jnp.float32),
        pltpu.VMEM_SHARED((NP, W1COL), jnp.float32),
        pltpu.SemaphoreType.DMA,
        pltpu.SemaphoreType.DMA,
        pltpu.SemaphoreType.DMA,
        pltpu.SemaphoreType.DMA,
        pltpu.SemaphoreType.DMA,
        pltpu.SemaphoreType.DMA,
        pltpu.SemaphoreType.DMA,
        pltpu.SemaphoreType.DMA,
    ],
)
def _sc_spmm1(gbig_hbm, src2_hbm, dst_hbm, zeros_hbm, out_hbm,
              sidx0, sidx1, sidx2, sidx3, didx0, didx1, didx2, didx3,
              rows0, rows1, rows2, rows3, acc,
              gs0, gs1, gs2, gs3, ss0, ss1, ss2, ss3):
    c = lax.axis_index("c")
    s = lax.axis_index("s")
    sidx = [sidx0, sidx1, sidx2, sidx3]
    didx = [didx0, didx1, didx2, didx3]
    rows = [rows0, rows1, rows2, rows3]
    gsem = [gs0, gs1, gs2, gs3]
    ssem = [ss0, ss1, ss2, ss3]
    pltpu.sync_copy(zeros_hbm, acc.at[pl.ds(s * RPT, RPT)])
    plsc.subcore_barrier()
    ebase = c * EPAD + s * (EPAD // 16)
    dbase = s * (EPAD // 16)
    for b in range(3):
        pltpu.sync_copy(src2_hbm.at[pl.ds(ebase + b * C1, C1)], sidx[b])
        pltpu.sync_copy(dst_hbm.at[pl.ds(dbase + b * C1, C1)], didx[b])
        pltpu.async_copy(gbig_hbm.at[sidx[b]], rows[b], gsem[b])

    def body4(j, carry):
        i0 = j * 4
        for b in range(4):
            i = i0 + b
            p = (b + 3) % 4
            pltpu.make_async_copy(gbig_hbm.at[sidx[b]], rows[b], gsem[b]).wait()
            pltpu.async_copy(rows[b], acc.at[didx[b]], ssem[b], add=True)

            @pl.when(i + 3 < NCHW)
            def _():
                @pl.when(i >= 1)
                def _():
                    pltpu.make_async_copy(rows[p], acc.at[didx[p]], ssem[p]).wait()
                pltpu.sync_copy(src2_hbm.at[pl.ds(ebase + (i + 3) * C1, C1)], sidx[p])
                pltpu.sync_copy(dst_hbm.at[pl.ds(dbase + (i + 3) * C1, C1)], didx[p])
                pltpu.async_copy(gbig_hbm.at[sidx[p]], rows[p], gsem[p])
        return carry

    lax.fori_loop(0, NCHW // 4, body4, 0)
    for b in range(4):
        pltpu.make_async_copy(rows[b], acc.at[didx[b]], ssem[b]).wait()
    plsc.subcore_barrier()
    pltpu.sync_copy(
        acc.at[pl.ds(s * RPT, RPT)], out_hbm.at[pl.ds(c * NP + s * RPT, RPT)]
    )


@functools.partial(
    pl.kernel,
    out_type=jax.ShapeDtypeStruct((2 * NP, NHID), jnp.float32),
    mesh=_MESH,
    compiler_params=_SC_PARAMS,
    scratch_types=[
        pltpu.VMEM((2, C), jnp.int32),
        pltpu.VMEM((2, C), jnp.int32),
        pltpu.VMEM((C, NHID), jnp.float32),
        pltpu.VMEM((C, NHID), jnp.float32),
        pltpu.VMEM_SHARED((NP, NHID), jnp.float32),
        pltpu.VMEM_SHARED((NP, NHID), jnp.float32),
        pltpu.SemaphoreType.DMA,
        pltpu.SemaphoreType.DMA,
    ],
)
def _sc_spmm2(g3_hbm, epk_hbm, zeros_hbm, out_hbm,
              eidx0, eidx1, rows0, rows1, acc, g3s, gs0, gs1):
    c = lax.axis_index("c")
    s = lax.axis_index("s")
    eidx = [eidx0, eidx1]
    rows = [rows0, rows1]
    gsem = [gs0, gs1]
    pltpu.sync_copy(zeros_hbm, acc.at[pl.ds(s * RPT, RPT)])
    pltpu.sync_copy(g3_hbm.at[pl.ds(s * RPT, RPT)], g3s.at[pl.ds(s * RPT, RPT)])
    plsc.subcore_barrier()
    qbase = (c * 16 + s) * NCH2
    for b in range(2):
        pltpu.sync_copy(epk_hbm.at[qbase + b], eidx[b])
        pltpu.async_copy(g3s.at[eidx[b].at[0]], rows[b], gsem[b])

    def body2(j, carry):
        i0 = j * 2
        for b in range(2):
            i = i0 + b
            pltpu.make_async_copy(g3s.at[eidx[b].at[0]], rows[b], gsem[b]).wait()
            pltpu.sync_copy(rows[b], acc.at[eidx[b].at[1]], add=True)

            @pl.when(i + 2 < NCH2)
            def _():
                pltpu.sync_copy(epk_hbm.at[qbase + i + 2], eidx[b])
                pltpu.async_copy(g3s.at[eidx[b].at[0]], rows[b], gsem[b])
        return carry

    lax.fori_loop(0, NCH2 // 2, body2, 0)
    plsc.subcore_barrier()
    pltpu.sync_copy(
        acc.at[pl.ds(s * RPT, RPT)], out_hbm.at[pl.ds(c * NP + s * RPT, RPT)]
    )



BR = 2048
GRID_R = NP // BR
_SQ2I = 0.7071067811865476
_I2PI = 0.3989422804014327


def _prep_body(x_ref, mf_ref, degc_ref, w1_ref, out_ref):
    x = x_ref[...]
    mf = mf_ref[...]
    ic = lax.rsqrt(degc_ref[:, 0:1] + 1.0)
    xm = x - mf * x
    tx0 = jax.lax.dot_general(
        xm, w1_ref[...], (((1,), (0,)), ((), ())),
        preferred_element_type=jnp.float32)
    out_ref[0] = ic * jnp.concatenate([tx0, mf[:, :MSPLIT]], axis=1)
    out_ref[1] = jnp.concatenate(
        [ic * mf[:, MSPLIT:], (ic * ic) * mf], axis=1)


def _prep(xpad, Mf, deg2, W1):
    return pl.pallas_call(
        _prep_body,
        grid=(GRID_R,),
        in_specs=[
            pl.BlockSpec((BR, D_FEAT), lambda i: (i, 0)),
            pl.BlockSpec((BR, D_FEAT), lambda i: (i, 0)),
            pl.BlockSpec((BR, 8), lambda i: (GRID_R + i, 0)),
            pl.BlockSpec((D_FEAT, NHID), lambda i: (0, 0)),
        ],
        out_specs=pl.BlockSpec((2, BR, W1COL), lambda i: (0, i, 0)),
        out_shape=jax.ShapeDtypeStruct((2, NP, W1COL), jnp.float32),
    )(xpad, Mf, deg2, W1)


def _mix_body(s_ref, g_ref, degr_ref, degc_ref, x_ref, mf_ref,
              p1_ref, p2_ref, vs_ref, crow_ref, b1t_ref, wcat_ref, out_ref):
    ir = lax.rsqrt(degr_ref[:, 0:1] + 1.0)
    ic = lax.rsqrt(degc_ref[:, 0:1] + 1.0)
    full1a = ir * (s_ref[0] + g_ref[0])
    full1b = ir * (s_ref[1] + g_ref[1])
    s0 = full1a[:, :NHID]
    sm1 = jnp.concatenate([full1a[:, NHID:], full1b[:, :D_FEAT - MSPLIT]], axis=1)
    sm2 = ir * full1b[:, D_FEAT - MSPLIT:]
    dot = functools.partial(
        jax.lax.dot_general, preferred_element_type=jnp.float32)
    cx = (jnp.concatenate([s0] * K, axis=1)
          + dot(sm1, p1_ref[...], (((1,), (0,)), ((), ())))
          + b1t_ref[0:1, :])
    cc = dot(sm2, p2_ref[...], (((1,), (0,)), ((), ())))
    std = jnp.sqrt(cc + 1e-8)
    r = cx / std
    cdf = 0.5 * (1.0 + lax.erf(r * _SQ2I))
    pdf = jnp.exp(-0.5 * r * r) * _I2PI
    er = cx * cdf + std * pdf

    x = x_ref[...]
    mf = mf_ref[...]
    xm = x - mf * x
    quadcat = jnp.concatenate([xm * xm, xm, 1.0 - mf], axis=1)
    lg = dot(quadcat, vs_ref[...], (((1,), (0,)), ((), ()))) + crow_ref[0:1, :]
    m = jnp.max(lg, axis=1, keepdims=True)
    e = jnp.exp(lg - m)
    ssum = jnp.sum(e, axis=1, keepdims=True)
    h1 = jnp.zeros((BR, NHID), jnp.float32)
    for k in range(K):
        h1 = h1 + e[:, k:k + 1] * er[:, k * NHID:(k + 1) * NHID]
    h1 = h1 / ssum
    g3 = ic * dot(h1, wcat_ref[...], (((1,), (0,)), ((), ())))
    rid = pl.program_id(0) * BR + lax.broadcasted_iota(jnp.int32, (BR, 1), 0)
    out_ref[...] = jnp.where(rid < N, g3, 0.0)


def _mix(S2p, gbig2, deg2, xpad, Mf, P1, P2, Vs, crow, b1t, Wcat):
    return pl.pallas_call(
        _mix_body,
        grid=(GRID_R,),
        in_specs=[
            pl.BlockSpec((2, BR, W1COL), lambda i: (0, i, 0)),
            pl.BlockSpec((2, BR, W1COL), lambda i: (0, i, 0)),
            pl.BlockSpec((BR, 8), lambda i: (i, 0)),
            pl.BlockSpec((BR, 8), lambda i: (GRID_R + i, 0)),
            pl.BlockSpec((BR, D_FEAT), lambda i: (i, 0)),
            pl.BlockSpec((BR, D_FEAT), lambda i: (i, 0)),
            pl.BlockSpec((D_FEAT, KH), lambda i: (0, 0)),
            pl.BlockSpec((D_FEAT, KH), lambda i: (0, 0)),
            pl.BlockSpec((3 * D_FEAT, D_FEAT), lambda i: (0, 0)),
            pl.BlockSpec((8, D_FEAT), lambda i: (0, 0)),
            pl.BlockSpec((8, KH), lambda i: (0, 0)),
            pl.BlockSpec((NHID, NHID), lambda i: (0, 0)),
        ],
        out_specs=pl.BlockSpec((BR, NHID), lambda i: (i, 0)),
        out_shape=jax.ShapeDtypeStruct((NP, NHID), jnp.float32),
    )(S2p, gbig2, deg2, deg2, xpad, Mf, P1, P2, Vs, crow, b1t, Wcat)


def _final_body(s3_ref, g3_ref, degr_ref, brow_ref, out_ref):
    ir = lax.rsqrt(degr_ref[:, 0:1] + 1.0)
    out_ref[...] = ir * (s3_ref[0] + s3_ref[1] + g3_ref[...]) + brow_ref[0:1, :]


def _final(S3p, G3, deg2, brow):
    return pl.pallas_call(
        _final_body,
        grid=(GRID_R,),
        in_specs=[
            pl.BlockSpec((2, BR, NHID), lambda i: (0, i, 0)),
            pl.BlockSpec((BR, NHID), lambda i: (i, 0)),
            pl.BlockSpec((BR, 8), lambda i: (i, 0)),
            pl.BlockSpec((8, NHID), lambda i: (0, 0)),
        ],
        out_specs=pl.BlockSpec((BR, NHID), lambda i: (i, 0)),
        out_shape=jax.ShapeDtypeStruct((NP, NHID), jnp.float32),
    )(S3p, G3, deg2, brow)



BM = 1024
BN = 2048


def _decoder_body(z_row_ref, z_col_ref, out_ref):
    zi = z_row_ref[...]
    zj = z_col_ref[...]
    logits = jax.lax.dot_general(
        zi, zj, (((1,), (1,)), ((), ())), preferred_element_type=jnp.float32
    )
    out_ref[...] = jax.nn.sigmoid(logits)


def _decoder(z):
    n = z.shape[0]
    grid = (pl.cdiv(n, BM), pl.cdiv(n, BN))
    return pl.pallas_call(
        _decoder_body,
        grid=grid,
        in_specs=[
            pl.BlockSpec((BM, LATENT), lambda i, j: (i, 0)),
            pl.BlockSpec((BN, LATENT), lambda i, j: (j, 0)),
        ],
        out_specs=pl.BlockSpec((BM, BN), lambda i, j: (i, j)),
        out_shape=jax.ShapeDtypeStruct((n, n), jnp.float32),
    )(z, z)



def kernel(x, mask, edge_index, W1, b1, logp, means, logvars, W_mu, b_mu, W_lv, b_lv):
    src = edge_index[0].astype(jnp.int32)
    dst = edge_index[1].astype(jnp.int32)
    padi = jnp.full((EPAD - E,), N, jnp.int32)
    srcp = jnp.concatenate([src, padi])
    dstp = jnp.concatenate([dst, padi])

    ones8 = jnp.ones((C, 8), jnp.float32)
    zeros8 = jnp.zeros((RPT, 8), jnp.float32)
    zerosW = jnp.zeros((RPT, W1COL), jnp.float32)
    zerosH = jnp.zeros((RPT, NHID), jnp.float32)

    idxq_deg = jnp.concatenate([dstp, srcp]).reshape(2 * 16 * NCH1, C)
    epk2 = jnp.stack(
        [srcp.reshape(32, NCH2, C), dstp.reshape(32, NCH2, C)], axis=2
    ).reshape(32 * NCH2, 2, C)

    variances = jnp.exp(logvars)
    P1 = jnp.transpose(means[:, :, None] * W1[None, :, :], (1, 0, 2)).reshape(
        D_FEAT, K * NHID)
    P2 = jnp.transpose(
        variances[:, :, None] * (W1 * W1)[None, :, :], (1, 0, 2)
    ).reshape(D_FEAT, K * NHID)
    V1 = (1.0 / variances).T
    V2 = (means / variances).T
    V3 = (means * means / variances).T
    Vs = jnp.concatenate([-0.5 * V1, V2, -0.5 * V3], axis=0)
    Vs = jnp.pad(Vs, ((0, 0), (0, D_FEAT - K)))
    const_k = 0.5 * D_FEAT * jnp.log(2.0 * jnp.pi) + 0.5 * jnp.sum(logvars, axis=1)
    crow = jnp.full((8, D_FEAT), -1e30, jnp.float32)
    crow = crow.at[0, :K].set(logp - const_k)
    b1t = jnp.zeros((8, K * NHID), jnp.float32).at[0].set(jnp.tile(b1, K))
    Wcat = jnp.concatenate([W_mu, W_lv], axis=1)
    brow = jnp.zeros((8, NHID), jnp.float32).at[0].set(
        jnp.concatenate([b_mu, b_lv]))

    deg = _sc_degree(idxq_deg, ones8, zeros8)

    xpad = jnp.pad(x, ((0, NP - N), (0, 0)))
    Mf = jnp.pad(mask.astype(jnp.float32), ((0, NP - N), (0, 0)))
    gbig2 = _prep(xpad, Mf, deg, W1)

    src2f = jnp.concatenate([srcp, srcp + NP])
    S = _sc_spmm1(gbig2.reshape(2 * NP, W1COL), src2f, dstp, zerosW)

    G3 = _mix(S.reshape(2, NP, W1COL), gbig2, deg, xpad, Mf,
              P1, P2, Vs, crow, b1t, Wcat)

    S3cat = _sc_spmm2(G3, epk2, zerosH)

    F = _final(S3cat.reshape(2, NP, NHID), G3, deg, brow)
    mu = F[:N, :LATENT]
    logvar = F[:N, LATENT:]
    z = mu
    adj_recon = _decoder(z)
    return (adj_recon, z, mu, logvar)

# --- scband reference (transcript-rebuilt; emitter-appended) ---
"""Pipeline reference for scband-vgaemf-70549132804454 (READ-ONLY COPY).

The authoritative reference and input builder live on the scoring server;
editing this copy changes nothing except your own understanding.
"""

import jax, jax.numpy as jnp
import numpy as np

N = 10000
E = 320000
D_FEAT = 128
NHID = 32
LATENT = 16
K = 5


def _spmm(vals, rows, cols, X, n):
    return jax.ops.segment_sum(vals[:, None] * X[cols], rows, num_segments=n)


def _norm_adj(edge_index, n):
    src = edge_index[0]
    dst = edge_index[1]
    loop = jnp.arange(n)
    rows = jnp.concatenate([dst, loop])
    cols = jnp.concatenate([src, loop])
    vals = jnp.ones(rows.shape[0], jnp.float32)
    deg_r = jax.ops.segment_sum(vals, rows, num_segments=n)
    deg_c = jax.ops.segment_sum(vals, cols, num_segments=n)
    norm = vals / jnp.sqrt(deg_r[rows] * deg_c[cols])
    return norm, rows, cols


def setup_inputs(seed: int = 0):
    key = jax.random.key(seed)
    ks = jax.random.split(key, 12)
    x = jax.random.normal(ks[0], (N, D_FEAT), jnp.float32)
    mask = jax.random.bernoulli(ks[1], 0.5, (N, D_FEAT))
    edge_index = jax.random.randint(ks[2], (2, E), 0, N)
    W1 = jax.random.normal(ks[3], (D_FEAT, NHID), jnp.float32) / np.sqrt(D_FEAT)
    b1 = jnp.zeros((NHID,), jnp.float32)
    logp = jax.random.normal(ks[4], (K,), jnp.float32) * 0.01
    means = jax.random.normal(ks[5], (K, D_FEAT), jnp.float32)
    logvars = jax.random.normal(ks[6], (K, D_FEAT), jnp.float32) * 0.1
    W_mu = jax.random.normal(ks[7], (NHID, LATENT), jnp.float32) / np.sqrt(NHID)
    b_mu = jnp.zeros((LATENT,), jnp.float32)
    W_lv = jax.random.normal(ks[8], (NHID, LATENT), jnp.float32) / np.sqrt(NHID)
    b_lv = jnp.zeros((LATENT,), jnp.float32)
    return {"x": x, "mask": mask, "edge_index": edge_index, "W1": W1, "b1": b1, "logp": logp, "means": means, "logvars": logvars, "W_mu": W_mu, "b_mu": b_mu, "W_lv": W_lv, "b_lv": b_lv}


def _gcnmf_conv(x, mask, W1, b1, logp, means, logvars, vals, vals2, rows, cols, n):
    d_in = x.shape[1]
    variances = jnp.exp(logvars)
    mean_mat = jnp.where(mask[None, :, :], means[:, None, :], x[None, :, :])
    var_mat = jnp.where(mask[None, :, :], variances[:, None, :], jnp.zeros((), jnp.float32))
    tx = jnp.einsum('knd,dh->knh', mean_mat, W1)
    tc = jnp.einsum('knd,dh->knh', var_mat, W1 * W1)
    cx = jax.vmap(lambda Xk: _spmm(vals, rows, cols, Xk, n))(tx) + b1
    cc = jax.vmap(lambda Xk: _spmm(vals2, rows, cols, Xk, n))(tc)
    std = jnp.sqrt(cc + 1e-8)
    r = cx / std
    cdf = 0.5 * (1.0 + jax.scipy.special.erf(r / jnp.sqrt(2.0)))
    pdf = jnp.exp(-0.5 * r * r) / jnp.sqrt(2.0 * jnp.pi)
    expected_relu = cx * cdf + std * pdf
    log_n = (-0.5) * jnp.sum((mean_mat - means[:, None, :]) ** 2 / variances[:, None, :], axis=2) - 0.5 * d_in * jnp.log(2.0 * jnp.pi) - 0.5 * jnp.sum(logvars, axis=1)[:, None]
    gamma = jax.nn.softmax(logp[:, None] + log_n, axis=0)
    return jnp.sum(gamma[:, :, None] * expected_relu, axis=0)


def _gcn_conv(h, W, b, vals, rows, cols, n):
    return _spmm(vals, rows, cols, h @ W, n) + b


def reference(x, mask, edge_index, W1, b1, logp, means, logvars, W_mu, b_mu, W_lv, b_lv):
    n = x.shape[0]
    vals, rows, cols = _norm_adj(edge_index, n)
    vals2 = vals * vals
    h1 = _gcnmf_conv(x, mask, W1, b1, logp, means, logvars, vals, vals2, rows, cols, n)
    mu = _gcn_conv(h1, W_mu, b_mu, vals, rows, cols, n)
    logvar = _gcn_conv(h1, W_lv, b_lv, vals, rows, cols, n)
    z = mu
    adj_recon = jax.nn.sigmoid(z @ z.T)
    return (adj_recon, z, mu, logvar)

if __name__ == "__main__":
    import jax
    _d = setup_inputs()
    print(jax.jit(kernel)(*tuple(_d.values())))

</pallas_src>

<mosaic_0001>
#map = affine_map<(d0, d1) -> (0, 0)>
module attributes {stable_mosaic.version = 14 : i64} {
  func.func @_sc_degree(%arg0: i32, %arg1: i32, %arg2: memref<5120x128xi32, #tpu.memory_space<hbm>>, %arg3: memref<128x8xf32, #tpu.memory_space<hbm>>, %arg4: memref<640x8xf32, #tpu.memory_space<hbm>>, %arg5: memref<20480x8xf32, #tpu.memory_space<hbm>>, %arg6: memref<128xi32, #tpu.memory_space<vmem>>, %arg7: memref<128xi32, #tpu.memory_space<vmem>>, %arg8: memref<128x8xf32, #tpu.memory_space<vmem>>, %arg9: memref<10240x8xf32, #tpu.memory_space<vmem_shared>>, %arg10: memref<!tpu.dma_semaphore, #tpu.memory_space<semaphore_mem>>, %arg11: memref<!tpu.dma_semaphore, #tpu.memory_space<semaphore_mem>>) attributes {dimension_semantics = [#tpu.dimension_semantics<core_parallel>, #tpu.dimension_semantics<subcore_parallel>], iteration_bounds = array<i64: 2, 16>, scalar_prefetch = 0 : i64, scratch_operands = 6 : i64, tpu.core_type = #tpu.core_type<sc_vector_subcore>, window_params = [{transform_indices = #map}, {transform_indices = #map}, {transform_indices = #map}, {transform_indices = #map}]} {
    %mul3A = arith.constant 640 : i32
    %mul3A_0 = arith.muli %arg1, %mul3A : i32
    "tpu.region"() ({
      %run_scoped3A = tpu.sem_alloc : memref<!tpu.dma_semaphore, #tpu.memory_space<semaphore_mem>>
      %dma_start3A_33 = arith.constant 0 : i32
      %dma_start3A_34 = tpu.memref_slice %arg9[%mul3A_0, %dma_start3A_33] : memref<10240x8xf32, #tpu.memory_space<vmem_shared>> -> memref<640x8xf32, #tpu.memory_space<vmem_shared>>
      tpu.enqueue_dma source(%arg4 : memref<640x8xf32, #tpu.memory_space<hbm>>) target(%dma_start3A_34 : memref<640x8xf32, #tpu.memory_space<vmem_shared>>) target_semaphore(%run_scoped3A : memref<!tpu.dma_semaphore, #tpu.memory_space<semaphore_mem>>)
      %dma_wait3A = arith.constant 0 : i32
      %dma_wait3A_35 = tpu.memref_slice %arg9[%mul3A_0, %dma_wait3A] : memref<10240x8xf32, #tpu.memory_space<vmem_shared>> -> memref<640x8xf32, #tpu.memory_space<vmem_shared>>
      tpu.wait_dma2 semaphore(%run_scoped3A : memref<!tpu.dma_semaphore, #tpu.memory_space<semaphore_mem>>) src(%arg4 : memref<640x8xf32, #tpu.memory_space<hbm>>) dst(%dma_wait3A_35 : memref<640x8xf32, #tpu.memory_space<vmem_shared>>)
      tpu.yield
    }) : () -> ()
    "tpu.region"() ({
      %run_scoped3A = tpu.sem_alloc : memref<!tpu.dma_semaphore, #tpu.memory_space<semaphore_mem>>
      tpu.enqueue_dma source(%arg3 : memref<128x8xf32, #tpu.memory_space<hbm>>) target(%arg8 : memref<128x8xf32, #tpu.memory_space<vmem>>) target_semaphore(%run_scoped3A : memref<!tpu.dma_semaphore, #tpu.memory_space<semaphore_mem>>)
      tpu.wait_dma2 semaphore(%run_scoped3A : memref<!tpu.dma_semaphore, #tpu.memory_space<semaphore_mem>>) src(%arg3 : memref<128x8xf32, #tpu.memory_space<hbm>>) dst(%arg8 : memref<128x8xf32, #tpu.memory_space<vmem>>)
      tpu.yield
    }) : () -> ()
    %barrier3A = arith.constant 0 : index
    tpu.barrier barrier_id(%barrier3A)
    %mul3A_1 = arith.constant 16 : i32
    %mul3A_2 = arith.muli %arg0, %mul3A_1 : i32
    %add3A = arith.addi %mul3A_2, %arg1 : i32
    %mul3A_3 = arith.constant 160 : i32
    %mul3A_4 = arith.muli %add3A, %mul3A_3 : i32
    %add3A_5 = arith.constant 0 : i32
    %add3A_6 = arith.addi %mul3A_4, %add3A_5 : i32
    %dma_start3A = arith.constant 0 : i32
    %dma_start3A_7 = tpu.memref_slice %arg2[%add3A_6, %dma_start3A] : memref<5120x128xi32, #tpu.memory_space<hbm>> -> memref<1x128xi32, #tpu.memory_space<hbm>>
    %dma_start3A_8 = tpu.memref_squeeze %dma_start3A_7 : memref<1x128xi32, #tpu.memory_space<hbm>> -> memref<128xi32, #tpu.memory_space<hbm>>
    %dma_start3A_9 = arith.constant 0 : i32
    %dma_start3A_10 = tpu.memref_slice %arg2[%add3A_6, %dma_start3A_9] : memref<5120x128xi32, #tpu.memory_space<hbm>> -> memref<1x128xi32, #tpu.memory_space<hbm>>
    %dma_start3A_11 = tpu.memref_squeeze %dma_start3A_10 : memref<1x128xi32, #tpu.memory_space<hbm>> -> memref<128xi32, #tpu.memory_space<hbm>>
    tpu.enqueue_dma source(%dma_start3A_11 : memref<128xi32, #tpu.memory_space<hbm>>) target(%arg6 : memref<128xi32, #tpu.memory_space<vmem>>) target_semaphore(%arg10 : memref<!tpu.dma_semaphore, #tpu.memory_space<semaphore_mem>>)
    %add3A_12 = arith.constant 1 : i32
    %add3A_13 = arith.addi %mul3A_4, %add3A_12 : i32
    %dma_start3A_14 = arith.constant 0 : i32
    %dma_start3A_15 = tpu.memref_slice %arg2[%add3A_13, %dma_start3A_14] : memref<5120x128xi32, #tpu.memory_space<hbm>> -> memref<1x128xi32, #tpu.memory_space<hbm>>
    %dma_start3A_16 = tpu.memref_squeeze %dma_start3A_15 : memref<1x128xi32, #tpu.memory_space<hbm>> -> memref<128xi32, #tpu.memory_space<hbm>>
    %dma_start3A_17 = arith.constant 0 : i32
    %dma_start3A_18 = tpu.memref_slice %arg2[%add3A_13, %dma_start3A_17] : memref<5120x128xi32, #tpu.memory_space<hbm>> -> memref<1x128xi32, #tpu.memory_space<hbm>>
    %dma_start3A_19 = tpu.memref_squeeze %dma_start3A_18 : memref<1x128xi32, #tpu.memory_space<hbm>> -> memref<128xi32, #tpu.memory_space<hbm>>
    tpu.enqueue_dma source(%dma_start3A_19 : memref<128xi32, #tpu.memory_space<hbm>>) target(%arg7 : memref<128xi32, #tpu.memory_space<vmem>>) target_semaphore(%arg11 : memref<!tpu.dma_semaphore, #tpu.memory_space<semaphore_mem>>)
    %scan3A = arith.constant 0 : i32
    %scan3A_20 = arith.constant 0 : i32
    %scan3A_21 = arith.constant 80 : i32
    %scan3A_22 = arith.addi %scan3A_20, %scan3A_21 : i32
    %scan3A_23 = arith.constant 1 : i32
    scf.for %scan3A_33 = %scan3A_20 to %scan3A_22 step %scan3A_23  : i32 {
      %mul3A_34 = arith.constant 2 : i32
      %mul3A_35 = arith.muli %scan3A_33, %mul3A_34 : i32
      %add3A_36 = arith.constant 0 : i32
      %add3A_37 = arith.addi %mul3A_35, %add3A_36 : i32
      %add3A_38 = arith.addi %mul3A_4, %add3A_37 : i32
      %dma_wait3A = arith.constant 0 : i32
      %dma_wait3A_39 = tpu.memref_slice %arg2[%add3A_38, %dma_wait3A] : memref<5120x128xi32, #tpu.memory_space<hbm>> -> memref<1x128xi32, #tpu.memory_space<hbm>>
      %dma_wait3A_40 = tpu.memref_squeeze %dma_wait3A_39 : memref<1x128xi32, #tpu.memory_space<hbm>> -> memref<128xi32, #tpu.memory_space<hbm>>
      %dma_wait3A_41 = arith.constant 0 : i32
      %dma_wait3A_42 = tpu.memref_slice %arg2[%add3A_38, %dma_wait3A_41] : memref<5120x128xi32, #tpu.memory_space<hbm>> -> memref<1x128xi32, #tpu.memory_space<hbm>>
      %dma_wait3A_43 = tpu.memref_squeeze %dma_wait3A_42 : memref<1x128xi32, #tpu.memory_space<hbm>> -> memref<128xi32, #tpu.memory_space<hbm>>
      tpu.wait_dma2 semaphore(%arg10 : memref<!tpu.dma_semaphore, #tpu.memory_space<semaphore_mem>>) src(%dma_wait3A_43 : memref<128xi32, #tpu.memory_space<hbm>>) dst(%arg6 : memref<128xi32, #tpu.memory_space<vmem>>)
      "tpu.region"() ({
        %run_scoped3A = tpu.sem_alloc : memref<!tpu.dma_semaphore, #tpu.memory_space<semaphore_mem>>
        %dma_start3A_64 = arith.constant 0 : i32
        %dma_start3A_65 = arith.constant 0 : i32
        %dma_start3A_66 = tpu.memref_slice %arg9[%dma_start3A_64, %dma_start3A_65] : memref<10240x8xf32, #tpu.memory_space<vmem_shared>> -> memref<10240x8xf32, #tpu.memory_space<vmem_shared>>
        tpu.enqueue_indirect_dma source(%arg8 : memref<128x8xf32, #tpu.memory_space<vmem>>) target(%dma_start3A_66 : memref<10240x8xf32, #tpu.memory_space<vmem_shared>>) offsets(%arg6 : memref<128xi32, #tpu.memory_space<vmem>>) semaphore(%run_scoped3A : memref<!tpu.dma_semaphore, #tpu.memory_space<semaphore_mem>>) {add = true}
        %dma_wait3A_67 = arith.constant 0 : i32
        %dma_wait3A_68 = arith.constant 0 : i32
        %dma_wait3A_69 = tpu.memref_slice %arg9[%dma_wait3A_67, %dma_wait3A_68] : memref<10240x8xf32, #tpu.memory_space<vmem_shared>> -> memref<10240x8xf32, #tpu.memory_space<vmem_shared>>
        tpu.wait_indirect_dma semaphore(%run_scoped3A : memref<!tpu.dma_semaphore, #tpu.memory_space<semaphore_mem>>) src(%arg8 : memref<128x8xf32, #tpu.memory_space<vmem>>) dst(%dma_wait3A_69 : memref<10240x8xf32, #tpu.memory_space<vmem_shared>>)
        tpu.yield
      }) : () -> ()
      %add3A_44 = arith.constant 2 : i32
      %add3A_45 = arith.addi %add3A_37, %add3A_44 : i32
      %lt3A = arith.constant 160 : i32
      %lt3A_46 = arith.cmpi slt, %add3A_45, %lt3A : i32
      %convert_element_type3A = arith.extui %lt3A_46 : i1 to i32
      %cond3A = arith.constant 0 : i32
      %cond3A_47 = arith.cmpi ne, %convert_element_type3A, %cond3A : i32
      scf.if %cond3A_47 {
        %add3A_64 = arith.addi %mul3A_4, %add3A_37 : i32
        %add3A_65 = arith.constant 2 : i32
        %add3A_66 = arith.addi %add3A_64, %add3A_65 : i32
        %dma_start3A_67 = arith.constant 0 : i32
        %dma_start3A_68 = tpu.memref_slice %arg2[%add3A_66, %dma_start3A_67] : memref<5120x128xi32, #tpu.memory_space<hbm>> -> memref<1x128xi32, #tpu.memory_space<hbm>>
        %dma_start3A_69 = tpu.memref_squeeze %dma_start3A_68 : memref<1x128xi32, #tpu.memory_space<hbm>> -> memref<128xi32, #tpu.memory_space<hbm>>
        %dma_start3A_70 = arith.constant 0 : i32
        %dma_start3A_71 = tpu.memref_slice %arg2[%add3A_66, %dma_start3A_70] : memref<5120x128xi32, #tpu.memory_space<hbm>> -> memref<1x128xi32, #tpu.memory_space<hbm>>
        %dma_start3A_72 = tpu.memref_squeeze %dma_start3A_71 : memref<1x128xi32, #tpu.memory_space<hbm>> -> memref<128xi32, #tpu.memory_space<hbm>>
        tpu.enqueue_dma source(%dma_start3A_72 : memref<128xi32, #tpu.memory_space<hbm>>) target(%arg6 : memref<128xi32, #tpu.memory_space<vmem>>) target_semaphore(%arg10 : memref<!tpu.dma_semaphore, #tpu.memory_space<semaphore_mem>>)
      } else {
      }
      %add3A_48 = arith.constant 1 : i32
      %add3A_49 = arith.addi %mul3A_35, %add3A_48 : i32
      %add3A_50 = arith.addi %mul3A_4, %add3A_49 : i32
      %dma_wait3A_51 = arith.constant 0 : i32
      %dma_wait3A_52 = tpu.memref_slice %arg2[%add3A_50, %dma_wait3A_51] : memref<5120x128xi32, #tpu.memory_space<hbm>> -> memref<1x128xi32, #tpu.memory_space<hbm>>
      %dma_wait3A_53 = tpu.memref_squeeze %dma_wait3A_52 : memref<1x128xi32, #tpu.memory_space<hbm>> -> memref<128xi32, #tpu.memory_space<hbm>>
      %dma_wait3A_54 = arith.constant 0 : i32
      %dma_wait3A_55 = tpu.memref_slice %arg2[%add3A_50, %dma_wait3A_54] : memref<5120x128xi32, #tpu.memory_space<hbm>> -> memref<1x128xi32, #tpu.memory_space<hbm>>
      %dma_wait3A_56 = tpu.memref_squeeze %dma_wait3A_55 : memref<1x128xi32, #tpu.memory_space<hbm>> -> memref<128xi32, #tpu.memory_space<hbm>>
      tpu.wait_dma2 semaphore(%arg11 : memref<!tpu.dma_semaphore, #tpu.memory_space<semaphore_mem>>) src(%dma_wait3A_56 : memref<128xi32, #tpu.memory_space<hbm>>) dst(%arg7 : memref<128xi32, #tpu.memory_space<vmem>>)
      "tpu.region"() ({
        %run_scoped3A = tpu.sem_alloc : memref<!tpu.dma_semaphore, #tpu.memory_space<semaphore_mem>>
        %dma_start3A_64 = arith.constant 0 : i32
        %dma_start3A_65 = arith.constant 0 : i32
        %dma_start3A_66 = tpu.memref_slice %arg9[%dma_start3A_64, %dma_start3A_65] : memref<10240x8xf32, #tpu.memory_space<vmem_shared>> -> memref<10240x8xf32, #tpu.memory_space<vmem_shared>>
        tpu.enqueue_indirect_dma source(%arg8 : memref<128x8xf32, #tpu.memory_space<vmem>>) target(%dma_start3A_66 : memref<10240x8xf32, #tpu.memory_space<vmem_shared>>) offsets(%arg7 : memref<128xi32, #tpu.memory_space<vmem>>) semaphore(%run_scoped3A : memref<!tpu.dma_semaphore, #tpu.memory_space<semaphore_mem>>) {add = true}
        %dma_wait3A_67 = arith.constant 0 : i32
        %dma_wait3A_68 = arith.constant 0 : i32
        %dma_wait3A_69 = tpu.memref_slice %arg9[%dma_wait3A_67, %dma_wait3A_68] : memref<10240x8xf32, #tpu.memory_space<vmem_shared>> -> memref<10240x8xf32, #tpu.memory_space<vmem_shared>>
        tpu.wait_indirect_dma semaphore(%run_scoped3A : memref<!tpu.dma_semaphore, #tpu.memory_space<semaphore_mem>>) src(%arg8 : memref<128x8xf32, #tpu.memory_space<vmem>>) dst(%dma_wait3A_69 : memref<10240x8xf32, #tpu.memory_space<vmem_shared>>)
        tpu.yield
      }) : () -> ()
      %add3A_57 = arith.constant 2 : i32
      %add3A_58 = arith.addi %add3A_49, %add3A_57 : i32
      %lt3A_59 = arith.constant 160 : i32
      %lt3A_60 = arith.cmpi slt, %add3A_58, %lt3A_59 : i32
      %convert_element_type3A_61 = arith.extui %lt3A_60 : i1 to i32
      %cond3A_62 = arith.constant 0 : i32
      %cond3A_63 = arith.cmpi ne, %convert_element_type3A_61, %cond3A_62 : i32
      scf.if %cond3A_63 {
        %add3A_64 = arith.addi %mul3A_4, %add3A_49 : i32
        %add3A_65 = arith.constant 2 : i32
        %add3A_66 = arith.addi %add3A_64, %add3A_65 : i32
        %dma_start3A_67 = arith.constant 0 : i32
        %dma_start3A_68 = tpu.memref_slice %arg2[%add3A_66, %dma_start3A_67] : memref<5120x128xi32, #tpu.memory_space<hbm>> -> memref<1x128xi32, #tpu.memory_space<hbm>>
        %dma_start3A_69 = tpu.memref_squeeze %dma_start3A_68 : memref<1x128xi32, #tpu.memory_space<hbm>> -> memref<128xi32, #tpu.memory_space<hbm>>
        %dma_start3A_70 = arith.constant 0 : i32
        %dma_start3A_71 = tpu.memref_slice %arg2[%add3A_66, %dma_start3A_70] : memref<5120x128xi32, #tpu.memory_space<hbm>> -> memref<1x128xi32, #tpu.memory_space<hbm>>
        %dma_start3A_72 = tpu.memref_squeeze %dma_start3A_71 : memref<1x128xi32, #tpu.memory_space<hbm>> -> memref<128xi32, #tpu.memory_space<hbm>>
        tpu.enqueue_dma source(%dma_start3A_72 : memref<128xi32, #tpu.memory_space<hbm>>) target(%arg7 : memref<128xi32, #tpu.memory_space<vmem>>) target_semaphore(%arg11 : memref<!tpu.dma_semaphore, #tpu.memory_space<semaphore_mem>>)
      } else {
      }
    }
    %scan3A_24 = arith.constant 80 : i32
    %barrier3A_25 = arith.constant 0 : index
    tpu.barrier barrier_id(%barrier3A_25)
    %mul3A_26 = arith.constant 640 : i32
    %mul3A_27 = arith.muli %arg1, %mul3A_26 : i32
    %mul3A_28 = arith.constant 10240 : i32
    %mul3A_29 = arith.muli %arg0, %mul3A_28 : i32
    %mul3A_30 = arith.constant 640 : i32
    %mul3A_31 = arith.muli %arg1, %mul3A_30 : i32
    %add3A_32 = arith.addi %mul3A_29, %mul3A_31 : i32
    "tpu.region"() ({
      %run_scoped3A = tpu.sem_alloc : memref<!tpu.dma_semaphore, #tpu.memory_space<semaphore_mem>>
      %dma_start3A_33 = arith.constant 0 : i32
      %dma_start3A_34 = tpu.memref_slice %arg5[%add3A_32, %dma_start3A_33] : memref<20480x8xf32, #tpu.memory_space<hbm>> -> memref<640x8xf32, #tpu.memory_space<hbm>>
      %dma_start3A_35 = arith.constant 0 : i32
      %dma_start3A_36 = tpu.memref_slice %arg9[%mul3A_27, %dma_start3A_35] : memref<10240x8xf32, #tpu.memory_space<vmem_shared>> -> memref<640x8xf32, #tpu.memory_space<vmem_shared>>
      tpu.enqueue_dma source(%dma_start3A_36 : memref<640x8xf32, #tpu.memory_space<vmem_shared>>) target(%dma_start3A_34 : memref<640x8xf32, #tpu.memory_space<hbm>>) target_semaphore(%run_scoped3A : memref<!tpu.dma_semaphore, #tpu.memory_space<semaphore_mem>>)
      %dma_wait3A = arith.constant 0 : i32
      %dma_wait3A_37 = tpu.memref_slice %arg5[%add3A_32, %dma_wait3A] : memref<20480x8xf32, #tpu.memory_space<hbm>> -> memref<640x8xf32, #tpu.memory_space<hbm>>
      %dma_wait3A_38 = arith.constant 0 : i32
      %dma_wait3A_39 = tpu.memref_slice %arg9[%mul3A_27, %dma_wait3A_38] : memref<10240x8xf32, #tpu.memory_space<vmem_shared>> -> memref<640x8xf32, #tpu.memory_space<vmem_shared>>
      tpu.wait_dma2 semaphore(%run_scoped3A : memref<!tpu.dma_semaphore, #tpu.memory_space<semaphore_mem>>) src(%dma_wait3A_39 : memref<640x8xf32, #tpu.memory_space<vmem_shared>>) dst(%dma_wait3A_37 : memref<640x8xf32, #tpu.memory_space<hbm>>)
      tpu.yield
    }) : () -> ()
    return
  }
}

#map = affine_map<(d0, d1) -> (0, 0)>
#map1 = affine_map<(d0, d1) -> (0)>
module attributes {stable_mosaic.version = 14 : i64} {
  func.func @_sc_spmm1(%arg0: i32, %arg1: i32, %arg2: memref<20480x144xf32, #tpu.memory_space<hbm>>, %arg3: memref<655360xi32, #tpu.memory_space<hbm>>, %arg4: memref<327680xi32, #tpu.memory_space<hbm>>, %arg5: memref<640x144xf32, #tpu.memory_space<hbm>>, %arg6: memref<20480x144xf32, #tpu.memory_space<hbm>>, %arg7: memref<64xi32, #tpu.memory_space<vmem>>, %arg8: memref<64xi32, #tpu.memory_space<vmem>>, %arg9: memref<64xi32, #tpu.memory_space<vmem>>, %arg10: memref<64xi32, #tpu.memory_space<vmem>>, %arg11: memref<64xi32, #tpu.memory_space<vmem>>, %arg12: memref<64xi32, #tpu.memory_space<vmem>>, %arg13: memref<64xi32, #tpu.memory_space<vmem>>, %arg14: memref<64xi32, #tpu.memory_space<vmem>>, %arg15: memref<64x144xf32, #tpu.memory_space<vmem>>, %arg16: memref<64x144xf32, #tpu.memory_space<vmem>>, %arg17: memref<64x144xf32, #tpu.memory_space<vmem>>, %arg18: memref<64x144xf32, #tpu.memory_space<vmem>>, %arg19: memref<10240x144xf32, #tpu.memory_space<vmem_shared>>, %arg20: memref<!tpu.dma_semaphore, #tpu.memory_space<semaphore_mem>>, %arg21: memref<!tpu.dma_semaphore, #tpu.memory_space<semaphore_mem>>, %arg22: memref<!tpu.dma_semaphore, #tpu.memory_space<semaphore_mem>>, %arg23: memref<!tpu.dma_semaphore, #tpu.memory_space<semaphore_mem>>, %arg24: memref<!tpu.dma_semaphore, #tpu.memory_space<semaphore_mem>>, %arg25: memref<!tpu.dma_semaphore, #tpu.memory_space<semaphore_mem>>, %arg26: memref<!tpu.dma_semaphore, #tpu.memory_space<semaphore_mem>>, %arg27: memref<!tpu.dma_semaphore, #tpu.memory_space<semaphore_mem>>) attributes {dimension_semantics = [#tpu.dimension_semantics<core_parallel>, #tpu.dimension_semantics<subcore_parallel>], iteration_bounds = array<i64: 2, 16>, scalar_prefetch = 0 : i64, scratch_operands = 21 : i64, tpu.core_type = #tpu.core_type<sc_vector_subcore>, window_params = [{transform_indices = #map}, {transform_indices = #map1}, {transform_indices = #map1}, {transform_indices = #map}, {transform_indices = #map}]} {
    %mul3A = arith.constant 640 : i32
    %mul3A_0 = arith.muli %arg1, %mul3A : i32
    "tpu.region"() ({
      %run_scoped3A = tpu.sem_alloc : memref<!tpu.dma_semaphore, #tpu.memory_space<semaphore_mem>>
      %dma_start3A_51 = arith.constant 0 : i32
      %dma_start3A_52 = tpu.memref_slice %arg19[%mul3A_0, %dma_start3A_51] : memref<10240x144xf32, #tpu.memory_space<vmem_shared>> -> memref<640x144xf32, #tpu.memory_space<vmem_shared>>
      tpu.enqueue_dma source(%arg5 : memref<640x144xf32, #tpu.memory_space<hbm>>) target(%dma_start3A_52 : memref<640x144xf32, #tpu.memory_space<vmem_shared>>) target_semaphore(%run_scoped3A : memref<!tpu.dma_semaphore, #tpu.memory_space<semaphore_mem>>)
      %dma_wait3A_53 = arith.constant 0 : i32
      %dma_wait3A_54 = tpu.memref_slice %arg19[%mul3A_0, %dma_wait3A_53] : memref<10240x144xf32, #tpu.memory_space<vmem_shared>> -> memref<640x144xf32, #tpu.memory_space<vmem_shared>>
      tpu.wait_dma2 semaphore(%run_scoped3A : memref<!tpu.dma_semaphore, #tpu.memory_space<semaphore_mem>>) src(%arg5 : memref<640x144xf32, #tpu.memory_space<hbm>>) dst(%dma_wait3A_54 : memref<640x144xf32, #tpu.memory_space<vmem_shared>>)
      tpu.yield
    }) : () -> ()
    %barrier3A = arith.constant 0 : index
    tpu.barrier barrier_id(%barrier3A)
    %mul3A_1 = arith.constant 327680 : i32
    %mul3A_2 = arith.muli %arg0, %mul3A_1 : i32
    %mul3A_3 = arith.constant 20480 : i32
    %mul3A_4 = arith.muli %arg1, %mul3A_3 : i32
    %add3A = arith.addi %mul3A_2, %mul3A_4 : i32
    %mul3A_5 = arith.constant 20480 : i32
    %mul3A_6 = arith.muli %arg1, %mul3A_5 : i32
    %add3A_7 = arith.constant 0 : i32
    %add3A_8 = arith.addi %add3A, %add3A_7 : i32
    "tpu.region"() ({
      %run_scoped3A = tpu.sem_alloc : memref<!tpu.dma_semaphore, #tpu.memory_space<semaphore_mem>>
      %dma_start3A_51 = tpu.memref_slice %arg3[%add3A_8] : memref<655360xi32, #tpu.memory_space<hbm>> -> memref<64xi32, #tpu.memory_space<hbm>>
      %dma_start3A_52 = tpu.memref_slice %arg3[%add3A_8] : memref<655360xi32, #tpu.memory_space<hbm>> -> memref<64xi32, #tpu.memory_space<hbm>>
      tpu.enqueue_dma source(%dma_start3A_52 : memref<64xi32, #tpu.memory_space<hbm>>) target(%arg7 : memref<64xi32, #tpu.memory_space<vmem>>) target_semaphore(%run_scoped3A : memref<!tpu.dma_semaphore, #tpu.memory_space<semaphore_mem>>)
      %dma_wait3A_53 = tpu.memref_slice %arg3[%add3A_8] : memref<655360xi32, #tpu.memory_space<hbm>> -> memref<64xi32, #tpu.memory_space<hbm>>
      %dma_wait3A_54 = tpu.memref_slice %arg3[%add3A_8] : memref<655360xi32, #tpu.memory_space<hbm>> -> memref<64xi32, #tpu.memory_space<hbm>>
      tpu.wait_dma2 semaphore(%run_scoped3A : memref<!tpu.dma_semaphore, #tpu.memory_space<semaphore_mem>>) src(%dma_wait3A_54 : memref<64xi32, #tpu.memory_space<hbm>>) dst(%arg7 : memref<64xi32, #tpu.memory_space<vmem>>)
      tpu.yield
    }) : () -> ()
    %add3A_9 = arith.constant 0 : i32
    %add3A_10 = arith.addi %mul3A_6, %add3A_9 : i32
    "tpu.region"() ({
      %run_scoped3A = tpu.sem_alloc : memref<!tpu.dma_semaphore, #tpu.memory_space<semaphore_mem>>
      %dma_start3A_51 = tpu.memref_slice %arg4[%add3A_10] : memref<327680xi32, #tpu.memory_space<hbm>> -> memref<64xi32, #tpu.memory_space<hbm>>
      %dma_start3A_52 = tpu.memref_slice %arg4[%add3A_10] : memref<327680xi32, #tpu.memory_space<hbm>> -> memref<64xi32, #tpu.memory_space<hbm>>
      tpu.enqueue_dma source(%dma_start3A_52 : memref<64xi32, #tpu.memory_space<hbm>>) target(%arg11 : memref<64xi32, #tpu.memory_space<vmem>>) target_semaphore(%run_scoped3A : memref<!tpu.dma_semaphore, #tpu.memory_space<semaphore_mem>>)
      %dma_wait3A_53 = tpu.memref_slice %arg4[%add3A_10] : memref<327680xi32, #tpu.memory_space<hbm>> -> memref<64xi32, #tpu.memory_space<hbm>>
      %dma_wait3A_54 = tpu.memref_slice %arg4[%add3A_10] : memref<327680xi32, #tpu.memory_space<hbm>> -> memref<64xi32, #tpu.memory_space<hbm>>
      tpu.wait_dma2 semaphore(%run_scoped3A : memref<!tpu.dma_semaphore, #tpu.memory_space<semaphore_mem>>) src(%dma_wait3A_54 : memref<64xi32, #tpu.memory_space<hbm>>) dst(%arg11 : memref<64xi32, #tpu.memory_space<vmem>>)
      tpu.yield
    }) : () -> ()
    %dma_start3A = arith.constant 0 : i32
    %dma_start3A_11 = arith.constant 0 : i32
    %dma_start3A_12 = tpu.memref_slice %arg2[%dma_start3A, %dma_start3A_11] : memref<20480x144xf32, #tpu.memory_space<hbm>> -> memref<20480x144xf32, #tpu.memory_space<hbm>>
    tpu.enqueue_indirect_dma source(%dma_start3A_12 : memref<20480x144xf32, #tpu.memory_space<hbm>>) target(%arg15 : memref<64x144xf32, #tpu.memory_space<vmem>>) offsets(%arg7 : memref<64xi32, #tpu.memory_space<vmem>>) semaphore(%arg20 : memref<!tpu.dma_semaphore, #tpu.memory_space<semaphore_mem>>)
    %add3A_13 = arith.constant 64 : i32
    %add3A_14 = arith.addi %add3A, %add3A_13 : i32
    "tpu.region"() ({
      %run_scoped3A = tpu.sem_alloc : memref<!tpu.dma_semaphore, #tpu.memory_space<semaphore_mem>>
      %dma_start3A_51 = tpu.memref_slice %arg3[%add3A_14] : memref<655360xi32, #tpu.memory_space<hbm>> -> memref<64xi32, #tpu.memory_space<hbm>>
      %dma_start3A_52 = tpu.memref_slice %arg3[%add3A_14] : memref<655360xi32, #tpu.memory_space<hbm>> -> memref<64xi32, #tpu.memory_space<hbm>>
      tpu.enqueue_dma source(%dma_start3A_52 : memref<64xi32, #tpu.memory_space<hbm>>) target(%arg8 : memref<64xi32, #tpu.memory_space<vmem>>) target_semaphore(%run_scoped3A : memref<!tpu.dma_semaphore, #tpu.memory_space<semaphore_mem>>)
      %dma_wait3A_53 = tpu.memref_slice %arg3[%add3A_14] : memref<655360xi32, #tpu.memory_space<hbm>> -> memref<64xi32, #tpu.memory_space<hbm>>
      %dma_wait3A_54 = tpu.memref_slice %arg3[%add3A_14] : memref<655360xi32, #tpu.memory_space<hbm>> -> memref<64xi32, #tpu.memory_space<hbm>>
      tpu.wait_dma2 semaphore(%run_scoped3A : memref<!tpu.dma_semaphore, #tpu.memory_space<semaphore_mem>>) src(%dma_wait3A_54 : memref<64xi32, #tpu.memory_space<hbm>>) dst(%arg8 : memref<64xi32, #tpu.memory_space<vmem>>)
      tpu.yield
    }) : () -> ()
    %add3A_15 = arith.constant 64 : i32
    %add3A_16 = arith.addi %mul3A_6, %add3A_15 : i32
    "tpu.region"() ({
      %run_scoped3A = tpu.sem_alloc : memref<!tpu.dma_semaphore, #tpu.memory_space<semaphore_mem>>
      %dma_start3A_51 = tpu.memref_slice %arg4[%add3A_16] : memref<327680xi32, #tpu.memory_space<hbm>> -> memref<64xi32, #tpu.memory_space<hbm>>
      %dma_start3A_52 = tpu.memref_slice %arg4[%add3A_16] : memref<327680xi32, #tpu.memory_space<hbm>> -> memref<64xi32, #tpu.memory_space<hbm>>
      tpu.enqueue_dma source(%dma_start3A_52 : memref<64xi32, #tpu.memory_space<hbm>>) target(%arg12 : memref<64xi32, #tpu.memory_space<vmem>>) target_semaphore(%run_scoped3A : memref<!tpu.dma_semaphore, #tpu.memory_space<semaphore_mem>>)
      %dma_wait3A_53 = tpu.memref_slice %arg4[%add3A_16] : memref<327680xi32, #tpu.memory_space<hbm>> -> memref<64xi32, #tpu.memory_space<hbm>>
      %dma_wait3A_54 = tpu.memref_slice %arg4[%add3A_16] : memref<327680xi32, #tpu.memory_space<hbm>> -> memref<64xi32, #tpu.memory_space<hbm>>
      tpu.wait_dma2 semaphore(%run_scoped3A : memref<!tpu.dma_semaphore, #tpu.memory_space<semaphore_mem>>) src(%dma_wait3A_54 : memref<64xi32, #tpu.memory_space<hbm>>) dst(%arg12 : memref<64xi32, #tpu.memory_space<vmem>>)
      tpu.yield
    }) : () -> ()
    %dma_start3A_17 = arith.constant 0 : i32
    %dma_start3A_18 = arith.constant 0 : i32
    %dma_start3A_19 = tpu.memref_slice %arg2[%dma_start3A_17, %dma_start3A_18] : memref<20480x144xf32, #tpu.memory_space<hbm>> -> memref<20480x144xf32, #tpu.memory_space<hbm>>
    tpu.enqueue_indirect_dma source(%dma_start3A_19 : memref<20480x144xf32, #tpu.memory_space<hbm>>) target(%arg16 : memref<64x144xf32, #tpu.memory_space<vmem>>) offsets(%arg8 : memref<64xi32, #tpu.memory_space<vmem>>) semaphore(%arg21 : memref<!tpu.dma_semaphore, #tpu.memory_space<semaphore_mem>>)
    %add3A_20 = arith.constant 128 : i32
    %add3A_21 = arith.addi %add3A, %add3A_20 : i32
    "tpu.region"() ({
      %run_scoped3A = tpu.sem_alloc : memref<!tpu.dma_semaphore, #tpu.memory_space<semaphore_mem>>
      %dma_start3A_51 = tpu.memref_slice %arg3[%add3A_21] : memref<655360xi32, #tpu.memory_space<hbm>> -> memref<64xi32, #tpu.memory_space<hbm>>
      %dma_start3A_52 = tpu.memref_slice %arg3[%add3A_21] : memref<655360xi32, #tpu.memory_space<hbm>> -> memref<64xi32, #tpu.memory_space<hbm>>
      tpu.enqueue_dma source(%dma_start3A_52 : memref<64xi32, #tpu.memory_space<hbm>>) target(%arg9 : memref<64xi32, #tpu.memory_space<vmem>>) target_semaphore(%run_scoped3A : memref<!tpu.dma_semaphore, #tpu.memory_space<semaphore_mem>>)
      %dma_wait3A_53 = tpu.memref_slice %arg3[%add3A_21] : memref<655360xi32, #tpu.memory_space<hbm>> -> memref<64xi32, #tpu.memory_space<hbm>>
      %dma_wait3A_54 = tpu.memref_slice %arg3[%add3A_21] : memref<655360xi32, #tpu.memory_space<hbm>> -> memref<64xi32, #tpu.memory_space<hbm>>
      tpu.wait_dma2 semaphore(%run_scoped3A : memref<!tpu.dma_semaphore, #tpu.memory_space<semaphore_mem>>) src(%dma_wait3A_54 : memref<64xi32, #tpu.memory_space<hbm>>) dst(%arg9 : memref<64xi32, #tpu.memory_space<vmem>>)
      tpu.yield
    }) : () -> ()
    %add3A_22 = arith.constant 128 : i32
    %add3A_23 = arith.addi %mul3A_6, %add3A_22 : i32
    "tpu.region"() ({
      %run_scoped3A = tpu.sem_alloc : memref<!tpu.dma_semaphore, #tpu.memory_space<semaphore_mem>>
      %dma_start3A_51 = tpu.memref_slice %arg4[%add3A_23] : memref<327680xi32, #tpu.memory_space<hbm>> -> memref<64xi32, #tpu.memory_space<hbm>>
      %dma_start3A_52 = tpu.memref_slice %arg4[%add3A_23] : memref<327680xi32, #tpu.memory_space<hbm>> -> memref<64xi32, #tpu.memory_space<hbm>>
      tpu.enqueue_dma source(%dma_start3A_52 : memref<64xi32, #tpu.memory_space<hbm>>) target(%arg13 : memref<64xi32, #tpu.memory_space<vmem>>) target_semaphore(%run_scoped3A : memref<!tpu.dma_semaphore, #tpu.memory_space<semaphore_mem>>)
      %dma_wait3A_53 = tpu.memref_slice %arg4[%add3A_23] : memref<327680xi32, #tpu.memory_space<hbm>> -> memref<64xi32, #tpu.memory_space<hbm>>
      %dma_wait3A_54 = tpu.memref_slice %arg4[%add3A_23] : memref<327680xi32, #tpu.memory_space<hbm>> -> memref<64xi32, #tpu.memory_space<hbm>>
      tpu.wait_dma2 semaphore(%run_scoped3A : memref<!tpu.dma_semaphore, #tpu.memory_space<semaphore_mem>>) src(%dma_wait3A_54 : memref<64xi32, #tpu.memory_space<hbm>>) dst(%arg13 : memref<64xi32, #tpu.memory_space<vmem>>)
      tpu.yield
    }) : () -> ()
    %dma_start3A_24 = arith.constant 0 : i32
    %dma_start3A_25 = arith.constant 0 : i32
    %dma_start3A_26 = tpu.memref_slice %arg2[%dma_start3A_24, %dma_start3A_25] : memref<20480x144xf32, #tpu.memory_space<hbm>> -> memref<20480x144xf32, #tpu.memory_space<hbm>>
    tpu.enqueue_indirect_dma source(%dma_start3A_26 : memref<20480x144xf32, #tpu.memory_space<hbm>>) target(%arg17 : memref<64x144xf32, #tpu.memory_space<vmem>>) offsets(%arg9 : memref<64xi32, #tpu.memory_space<vmem>>) semaphore(%arg22 : memref<!tpu.dma_semaphore, #tpu.memory_space<semaphore_mem>>)
    %scan3A = arith.constant 0 : i32
    %scan3A_27 = arith.constant 0 : i32
    %scan3A_28 = arith.constant 80 : i32
    %scan3A_29 = arith.addi %scan3A_27, %scan3A_28 : i32
    %scan3A_30 = arith.constant 1 : i32
    scf.for %scan3A_51 = %scan3A_27 to %scan3A_29 step %scan3A_30  : i32 {
      %mul3A_52 = arith.constant 4 : i32
      %mul3A_53 = arith.muli %scan3A_51, %mul3A_52 : i32
      %add3A_54 = arith.constant 0 : i32
      %add3A_55 = arith.addi %mul3A_53, %add3A_54 : i32
      %dma_wait3A_56 = arith.constant 0 : i32
      %dma_wait3A_57 = arith.constant 0 : i32
      %dma_wait3A_58 = tpu.memref_slice %arg2[%dma_wait3A_56, %dma_wait3A_57] : memref<20480x144xf32, #tpu.memory_space<hbm>> -> memref<20480x144xf32, #tpu.memory_space<hbm>>
      tpu.wait_indirect_dma semaphore(%arg20 : memref<!tpu.dma_semaphore, #tpu.memory_space<semaphore_mem>>) src(%dma_wait3A_58 : memref<20480x144xf32, #tpu.memory_space<hbm>>) dst(%arg15 : memref<64x144xf32, #tpu.memory_space<vmem>>)
      %dma_start3A_59 = arith.constant 0 : i32
      %dma_start3A_60 = arith.constant 0 : i32
      %dma_start3A_61 = tpu.memref_slice %arg19[%dma_start3A_59, %dma_start3A_60] : memref<10240x144xf32, #tpu.memory_space<vmem_shared>> -> memref<10240x144xf32, #tpu.memory_space<vmem_shared>>
      tpu.enqueue_indirect_dma source(%arg15 : memref<64x144xf32, #tpu.memory_space<vmem>>) target(%dma_start3A_61 : memref<10240x144xf32, #tpu.memory_space<vmem_shared>>) offsets(%arg11 : memref<64xi32, #tpu.memory_space<vmem>>) semaphore(%arg24 : memref<!tpu.dma_semaphore, #tpu.memory_space<semaphore_mem>>) {add = true}
      %add3A_62 = arith.constant 3 : i32
      %add3A_63 = arith.addi %add3A_55, %add3A_62 : i32
      %lt3A = arith.constant 320 : i32
      %lt3A_64 = arith.cmpi slt, %add3A_63, %lt3A : i32
      %convert_element_type3A = arith.extui %lt3A_64 : i1 to i32
      %cond3A = arith.constant 0 : i32
      %cond3A_65 = arith.cmpi ne, %convert_element_type3A, %cond3A : i32
      scf.if %cond3A_65 {
        %ge3A = arith.constant 1 : i32
        %ge3A_111 = arith.cmpi sge, %add3A_55, %ge3A : i32
        %convert_element_type3A_112 = arith.extui %ge3A_111 : i1 to i32
        %cond3A_113 = arith.constant 0 : i32
        %cond3A_114 = arith.cmpi ne, %convert_element_type3A_112, %cond3A_113 : i32
        scf.if %cond3A_114 {
          %dma_wait3A_128 = arith.constant 0 : i32
          %dma_wait3A_129 = arith.constant 0 : i32
          %dma_wait3A_130 = tpu.memref_slice %arg19[%dma_wait3A_128, %dma_wait3A_129] : memref<10240x144xf32, #tpu.memory_space<vmem_shared>> -> memref<10240x144xf32, #tpu.memory_space<vmem_shared>>
          tpu.wait_indirect_dma semaphore(%arg27 : memref<!tpu.dma_semaphore, #tpu.memory_space<semaphore_mem>>) src(%arg18 : memref<64x144xf32, #tpu.memory_space<vmem>>) dst(%dma_wait3A_130 : memref<10240x144xf32, #tpu.memory_space<vmem_shared>>)
        } else {
        }
        %add3A_115 = arith.constant 3 : i32
        %add3A_116 = arith.addi %add3A_55, %add3A_115 : i32
        %mul3A_117 = arith.constant 64 : i32
        %mul3A_118 = arith.muli %add3A_116, %mul3A_117 : i32
        %add3A_119 = arith.addi %add3A, %mul3A_118 : i32
        "tpu.region"() ({
          %run_scoped3A = tpu.sem_alloc : memref<!tpu.dma_semaphore, #tpu.memory_space<semaphore_mem>>
          %dma_start3A_128 = tpu.memref_slice %arg3[%add3A_119] : memref<655360xi32, #tpu.memory_space<hbm>> -> memref<64xi32, #tpu.memory_space<hbm>>
          %dma_start3A_129 = tpu.memref_slice %arg3[%add3A_119] : memref<655360xi32, #tpu.memory_space<hbm>> -> memref<64xi32, #tpu.memory_space<hbm>>
          tpu.enqueue_dma source(%dma_start3A_129 : memref<64xi32, #tpu.memory_space<hbm>>) target(%arg10 : memref<64xi32, #tpu.memory_space<vmem>>) target_semaphore(%run_scoped3A : memref<!tpu.dma_semaphore, #tpu.memory_space<semaphore_mem>>)
          %dma_wait3A_130 = tpu.memref_slice %arg3[%add3A_119] : memref<655360xi32, #tpu.memory_space<hbm>> -> memref<64xi32, #tpu.memory_space<hbm>>
          %dma_wait3A_131 = tpu.memref_slice %arg3[%add3A_119] : memref<655360xi32, #tpu.memory_space<hbm>> -> memref<64xi32, #tpu.memory_space<hbm>>
          tpu.wait_dma2 semaphore(%run_scoped3A : memref<!tpu.dma_semaphore, #tpu.memory_space<semaphore_mem>>) src(%dma_wait3A_131 : memref<64xi32, #tpu.memory_space<hbm>>) dst(%arg10 : memref<64xi32, #tpu.memory_space<vmem>>)
          tpu.yield
        }) : () -> ()
        %add3A_120 = arith.constant 3 : i32
        %add3A_121 = arith.addi %add3A_55, %add3A_120 : i32
        %mul3A_122 = arith.constant 64 : i32
        %mul3A_123 = arith.muli %add3A_121, %mul3A_122 : i32
        %add3A_124 = arith.addi %mul3A_6, %mul3A_123 : i32
        "tpu.region"() ({
          %run_scoped3A = tpu.sem_alloc : memref<!tpu.dma_semaphore, #tpu.memory_space<semaphore_mem>>
          %dma_start3A_128 = tpu.memref_slice %arg4[%add3A_124] : memref<327680xi32, #tpu.memory_space<hbm>> -> memref<64xi32, #tpu.memory_space<hbm>>
          %dma_start3A_129 = tpu.memref_slice %arg4[%add3A_124] : memref<327680xi32, #tpu.memory_space<hbm>> -> memref<64xi32, #tpu.memory_space<hbm>>
          tpu.enqueue_dma source(%dma_start3A_129 : memref<64xi32, #tpu.memory_space<hbm>>) target(%arg14 : memref<64xi32, #tpu.memory_space<vmem>>) target_semaphore(%run_scoped3A : memref<!tpu.dma_semaphore, #tpu.memory_space<semaphore_mem>>)
          %dma_wait3A_130 = tpu.memref_slice %arg4[%add3A_124] : memref<327680xi32, #tpu.memory_space<hbm>> -> memref<64xi32, #tpu.memory_space<hbm>>
          %dma_wait3A_131 = tpu.memref_slice %arg4[%add3A_124] : memref<327680xi32, #tpu.memory_space<hbm>> -> memref<64xi32, #tpu.memory_space<hbm>>
          tpu.wait_dma2 semaphore(%run_scoped3A : memref<!tpu.dma_semaphore, #tpu.memory_space<semaphore_mem>>) src(%dma_wait3A_131 : memref<64xi32, #tpu.memory_space<hbm>>) dst(%arg14 : memref<64xi32, #tpu.memory_space<vmem>>)
          tpu.yield
        }) : () -> ()
        %dma_start3A_125 = arith.constant 0 : i32
        %dma_start3A_126 = arith.constant 0 : i32
        %dma_start3A_127 = tpu.memref_slice %arg2[%dma_start3A_125, %dma_start3A_126] : memref<20480x144xf32, #tpu.memory_space<hbm>> -> memref<20480x144xf32, #tpu.memory_space<hbm>>
        tpu.enqueue_indirect_dma source(%dma_start3A_127 : memref<20480x144xf32, #tpu.memory_space<hbm>>) target(%arg18 : memref<64x144xf32, #tpu.memory_space<vmem>>) offsets(%arg10 : memref<64xi32, #tpu.memory_space<vmem>>) semaphore(%arg23 : memref<!tpu.dma_semaphore, #tpu.memory_space<semaphore_mem>>)
      } else {
      }
      %add3A_66 = arith.constant 1 : i32
      %add3A_67 = arith.addi %mul3A_53, %add3A_66 : i32
      %dma_wait3A_68 = arith.constant 0 : i32
      %dma_wait3A_69 = arith.constant 0 : i32
      %dma_wait3A_70 = tpu.memref_slice %arg2[%dma_wait3A_68, %dma_wait3A_69] : memref<20480x144xf32, #tpu.memory_space<hbm>> -> memref<20480x144xf32, #tpu.memory_space<hbm>>
      tpu.wait_indirect_dma semaphore(%arg21 : memref<!tpu.dma_semaphore, #tpu.memory_space<semaphore_mem>>) src(%dma_wait3A_70 : memref<20480x144xf32, #tpu.memory_space<hbm>>) dst(%arg16 : memref<64x144xf32, #tpu.memory_space<vmem>>)
      %dma_start3A_71 = arith.constant 0 : i32
      %dma_start3A_72 = arith.constant 0 : i32
      %dma_start3A_73 = tpu.memref_slice %arg19[%dma_start3A_71, %dma_start3A_72] : memref<10240x144xf32, #tpu.memory_space<vmem_shared>> -> memref<10240x144xf32, #tpu.memory_space<vmem_shared>>
      tpu.enqueue_indirect_dma source(%arg16 : memref<64x144xf32, #tpu.memory_space<vmem>>) target(%dma_start3A_73 : memref<10240x144xf32, #tpu.memory_space<vmem_shared>>) offsets(%arg12 : memref<64xi32, #tpu.memory_space<vmem>>) semaphore(%arg25 : memref<!tpu.dma_semaphore, #tpu.memory_space<semaphore_mem>>) {add = true}
      %add3A_74 = arith.constant 3 : i32
      %add3A_75 = arith.addi %add3A_67, %add3A_74 : i32
      %lt3A_76 = arith.constant 320 : i32
      %lt3A_77 = arith.cmpi slt, %add3A_75, %lt3A_76 : i32
      %convert_element_type3A_78 = arith.extui %lt3A_77 : i1 to i32
      %cond3A_79 = arith.constant 0 : i32
      %cond3A_80 = arith.cmpi ne, %convert_element_type3A_78, %cond3A_79 : i32
      scf.if %cond3A_80 {
        %ge3A = arith.constant 1 : i32
        %ge3A_111 = arith.cmpi sge, %add3A_67, %ge3A : i32
        %convert_element_type3A_112 = arith.extui %ge3A_111 : i1 to i32
        %cond3A_113 = arith.constant 0 : i32
        %cond3A_114 = arith.cmpi ne, %convert_element_type3A_112, %cond3A_113 : i32
        scf.if %cond3A_114 {
          %dma_wait3A_128 = arith.constant 0 : i32
          %dma_wait3A_129 = arith.constant 0 : i32
          %dma_wait3A_130 = tpu.memref_slice %arg19[%dma_wait3A_128, %dma_wait3A_129] : memref<10240x144xf32, #tpu.memory_space<vmem_shared>> -> memref<10240x144xf32, #tpu.memory_space<vmem_shared>>
          tpu.wait_indirect_dma semaphore(%arg24 : memref<!tpu.dma_semaphore, #tpu.memory_space<semaphore_mem>>) src(%arg15 : memref<64x144xf32, #tpu.memory_space<vmem>>) dst(%dma_wait3A_130 : memref<10240x144xf32, #tpu.memory_space<vmem_shared>>)
        } else {
        }
        %add3A_115 = arith.constant 3 : i32
        %add3A_116 = arith.addi %add3A_67, %add3A_115 : i32
        %mul3A_117 = arith.constant 64 : i32
        %mul3A_118 = arith.muli %add3A_116, %mul3A_117 : i32
        %add3A_119 = arith.addi %add3A, %mul3A_118 : i32
        "tpu.region"() ({
          %run_scoped3A = tpu.sem_alloc : memref<!tpu.dma_semaphore, #tpu.memory_space<semaphore_mem>>
          %dma_start3A_128 = tpu.memref_slice %arg3[%add3A_119] : memref<655360xi32, #tpu.memory_space<hbm>> -> memref<64xi32, #tpu.memory_space<hbm>>
          %dma_start3A_129 = tpu.memref_slice %arg3[%add3A_119] : memref<655360xi32, #tpu.memory_space<hbm>> -> memref<64xi32, #tpu.memory_space<hbm>>
          tpu.enqueue_dma source(%dma_start3A_129 : memref<64xi32, #tpu.memory_space<hbm>>) target(%arg7 : memref<64xi32, #tpu.memory_space<vmem>>) target_semaphore(%run_scoped3A : memref<!tpu.dma_semaphore, #tpu.memory_space<semaphore_mem>>)
          %dma_wait3A_130 = tpu.memref_slice %arg3[%add3A_119] : memref<655360xi32, #tpu.memory_space<hbm>> -> memref<64xi32, #tpu.memory_space<hbm>>
          %dma_wait3A_131 = tpu.memref_slice %arg3[%add3A_119] : memref<655360xi32, #tpu.memory_space<hbm>> -> memref<64xi32, #tpu.memory_space<hbm>>
          tpu.wait_dma2 semaphore(%run_scoped3A : memref<!tpu.dma_semaphore, #tpu.memory_space<semaphore_mem>>) src(%dma_wait3A_131 : memref<64xi32, #tpu.memory_space<hbm>>) dst(%arg7 : memref<64xi32, #tpu.memory_space<vmem>>)
          tpu.yield
        }) : () -> ()
        %add3A_120 = arith.constant 3 : i32
        %add3A_121 = arith.addi %add3A_67, %add3A_120 : i32
        %mul3A_122 = arith.constant 64 : i32
        %mul3A_123 = arith.muli %add3A_121, %mul3A_122 : i32
        %add3A_124 = arith.addi %mul3A_6, %mul3A_123 : i32
        "tpu.region"() ({
          %run_scoped3A = tpu.sem_alloc : memref<!tpu.dma_semaphore, #tpu.memory_space<semaphore_mem>>
          %dma_start3A_128 = tpu.memref_slice %arg4[%add3A_124] : memref<327680xi32, #tpu.memory_space<hbm>> -> memref<64xi32, #tpu.memory_space<hbm>>
          %dma_start3A_129 = tpu.memref_slice %arg4[%add3A_124] : memref<327680xi32, #tpu.memory_space<hbm>> -> memref<64xi32, #tpu.memory_space<hbm>>
          tpu.enqueue_dma source(%dma_start3A_129 : memref<64xi32, #tpu.memory_space<hbm>>) target(%arg11 : memref<64xi32, #tpu.memory_space<vmem>>) target_semaphore(%run_scoped3A : memref<!tpu.dma_semaphore, #tpu.memory_space<semaphore_mem>>)
          %dma_wait3A_130 = tpu.memref_slice %arg4[%add3A_124] : memref<327680xi32, #tpu.memory_space<hbm>> -> memref<64xi32, #tpu.memory_space<hbm>>
          %dma_wait3A_131 = tpu.memref_slice %arg4[%add3A_124] : memref<327680xi32, #tpu.memory_space<hbm>> -> memref<64xi32, #tpu.memory_space<hbm>>
          tpu.wait_dma2 semaphore(%run_scoped3A : memref<!tpu.dma_semaphore, #tpu.memory_space<semaphore_mem>>) src(%dma_wait3A_131 : memref<64xi32, #tpu.memory_space<hbm>>) dst(%arg11 : memref<64xi32, #tpu.memory_space<vmem>>)
          tpu.yield
        }) : () -> ()
        %dma_start3A_125 = arith.constant 0 : i32
        %dma_start3A_126 = arith.constant 0 : i32
        %dma_start3A_127 = tpu.memref_slice %arg2[%dma_start3A_125, %dma_start3A_126] : memref<20480x144xf32, #tpu.memory_space<hbm>> -> memref<20480x144xf32, #tpu.memory_space<hbm>>
        tpu.enqueue_indirect_dma source(%dma_start3A_127 : memref<20480x144xf32, #tpu.memory_space<hbm>>) target(%arg15 : memref<64x144xf32, #tpu.memory_space<vmem>>) offsets(%arg7 : memref<64xi32, #tpu.memory_space<vmem>>) semaphore(%arg20 : memref<!tpu.dma_semaphore, #tpu.memory_space<semaphore_mem>>)
      } else {
      }
      %add3A_81 = arith.constant 2 : i32
      %add3A_82 = arith.addi %mul3A_53, %add3A_81 : i32
      %dma_wait3A_83 = arith.constant 0 : i32
      %dma_wait3A_84 = arith.constant 0 : i32
      %dma_wait3A_85 = tpu.memref_slice %arg2[%dma_wait3A_83, %dma_wait3A_84] : memref<20480x144xf32, #tpu.memory_space<hbm>> -> memref<20480x144xf32, #tpu.memory_space<hbm>>
      tpu.wait_indirect_dma semaphore(%arg22 : memref<!tpu.dma_semaphore, #tpu.memory_space<semaphore_mem>>) src(%dma_wait3A_85 : memref<20480x144xf32, #tpu.memory_space<hbm>>) dst(%arg17 : memref<64x144xf32, #tpu.memory_space<vmem>>)
      %dma_start3A_86 = arith.constant 0 : i32
      %dma_start3A_87 = arith.constant 0 : i32
      %dma_start3A_88 = tpu.memref_slice %arg19[%dma_start3A_86, %dma_start3A_87] : memref<10240x144xf32, #tpu.memory_space<vmem_shared>> -> memref<10240x144xf32, #tpu.memory_space<vmem_shared>>
      tpu.enqueue_indirect_dma source(%arg17 : memref<64x144xf32, #tpu.memory_space<vmem>>) target(%dma_start3A_88 : memref<10240x144xf32, #tpu.memory_space<vmem_shared>>) offsets(%arg13 : memref<64xi32, #tpu.memory_space<vmem>>) semaphore(%arg26 : memref<!tpu.dma_semaphore, #tpu.memory_space<semaphore_mem>>) {add = true}
      %add3A_89 = arith.constant 3 : i32
      %add3A_90 = arith.addi %add3A_82, %add3A_89 : i32
      %lt3A_91 = arith.constant 320 : i32
      %lt3A_92 = arith.cmpi slt, %add3A_90, %lt3A_91 : i32
      %convert_element_type3A_93 = arith.extui %lt3A_92 : i1 to i32
      %cond3A_94 = arith.constant 0 : i32
      %cond3A_95 = arith.cmpi ne, %convert_element_type3A_93, %cond3A_94 : i32
      scf.if %cond3A_95 {
        %ge3A = arith.constant 1 : i32
        %ge3A_111 = arith.cmpi sge, %add3A_82, %ge3A : i32
        %convert_element_type3A_112 = arith.extui %ge3A_111 : i1 to i32
        %cond3A_113 = arith.constant 0 : i32
        %cond3A_114 = arith.cmpi ne, %convert_element_type3A_112, %cond3A_113 : i32
        scf.if %cond3A_114 {
          %dma_wait3A_128 = arith.constant 0 : i32
          %dma_wait3A_129 = arith.constant 0 : i32
          %dma_wait3A_130 = tpu.memref_slice %arg19[%dma_wait3A_128, %dma_wait3A_129] : memref<10240x144xf32, #tpu.memory_space<vmem_shared>> -> memref<10240x144xf32, #tpu.memory_space<vmem_shared>>
          tpu.wait_indirect_dma semaphore(%arg25 : memref<!tpu.dma_semaphore, #tpu.memory_space<semaphore_mem>>) src(%arg16 : memref<64x144xf32, #tpu.memory_space<vmem>>) dst(%dma_wait3A_130 : memref<10240x144xf32, #tpu.memory_space<vmem_shared>>)
        } else {
        }
        %add3A_115 = arith.constant 3 : i32
        %add3A_116 = arith.addi %add3A_82, %add3A_115 : i32
        %mul3A_117 = arith.constant 64 : i32
        %mul3A_118 = arith.muli %add3A_116, %mul3A_117 : i32
        %add3A_119 = arith.addi %add3A, %mul3A_118 : i32
        "tpu.region"() ({
          %run_scoped3A = tpu.sem_alloc : memref<!tpu.dma_semaphore, #tpu.memory_space<semaphore_mem>>
          %dma_start3A_128 = tpu.memref_slice %arg3[%add3A_119] : memref<655360xi32, #tpu.memory_space<hbm>> -> memref<64xi32, #tpu.memory_space<hbm>>
          %dma_start3A_129 = tpu.memref_slice %arg3[%add3A_119] : memref<655360xi32, #tpu.memory_space<hbm>> -> memref<64xi32, #tpu.memory_space<hbm>>
          tpu.enqueue_dma source(%dma_start3A_129 : memref<64xi32, #tpu.memory_space<hbm>>) target(%arg8 : memref<64xi32, #tpu.memory_space<vmem>>) target_semaphore(%run_scoped3A : memref<!tpu.dma_semaphore, #tpu.memory_space<semaphore_mem>>)
          %dma_wait3A_130 = tpu.memref_slice %arg3[%add3A_119] : memref<655360xi32, #tpu.memory_space<hbm>> -> memref<64xi32, #tpu.memory_space<hbm>>
          %dma_wait3A_131 = tpu.memref_slice %arg3[%add3A_119] : memref<655360xi32, #tpu.memory_space<hbm>> -> memref<64xi32, #tpu.memory_space<hbm>>
          tpu.wait_dma2 semaphore(%run_scoped3A : memref<!tpu.dma_semaphore, #tpu.memory_space<semaphore_mem>>) src(%dma_wait3A_131 : memref<64xi32, #tpu.memory_space<hbm>>) dst(%arg8 : memref<64xi32, #tpu.memory_space<vmem>>)
          tpu.yield
        }) : () -> ()
        %add3A_120 = arith.constant 3 : i32
        %add3A_121 = arith.addi %add3A_82, %add3A_120 : i32
        %mul3A_122 = arith.constant 64 : i32
        %mul3A_123 = arith.muli %add3A_121, %mul3A_122 : i32
        %add3A_124 = arith.addi %mul3A_6, %mul3A_123 : i32
        "tpu.region"() ({
          %run_scoped3A = tpu.sem_alloc : memref<!tpu.dma_semaphore, #tpu.memory_space<semaphore_mem>>
          %dma_start3A_128 = tpu.memref_slice %arg4[%add3A_124] : memref<327680xi32, #tpu.memory_space<hbm>> -> memref<64xi32, #tpu.memory_space<hbm>>
          %dma_start3A_129 = tpu.memref_slice %arg4[%add3A_124] : memref<327680xi32, #tpu.memory_space<hbm>> -> memref<64xi32, #tpu.memory_space<hbm>>
          tpu.enqueue_dma source(%dma_start3A_129 : memref<64xi32, #tpu.memory_space<hbm>>) target(%arg12 : memref<64xi32, #tpu.memory_space<vmem>>) target_semaphore(%run_scoped3A : memref<!tpu.dma_semaphore, #tpu.memory_space<semaphore_mem>>)
          %dma_wait3A_130 = tpu.memref_slice %arg4[%add3A_124] : memref<327680xi32, #tpu.memory_space<hbm>> -> memref<64xi32, #tpu.memory_space<hbm>>
          %dma_wait3A_131 = tpu.memref_slice %arg4[%add3A_124] : memref<327680xi32, #tpu.memory_space<hbm>> -> memref<64xi32, #tpu.memory_space<hbm>>
          tpu.wait_dma2 semaphore(%run_scoped3A : memref<!tpu.dma_semaphore, #tpu.memory_space<semaphore_mem>>) src(%dma_wait3A_131 : memref<64xi32, #tpu.memory_space<hbm>>) dst(%arg12 : memref<64xi32, #tpu.memory_space<vmem>>)
          tpu.yield
        }) : () -> ()
        %dma_start3A_125 = arith.constant 0 : i32
        %dma_start3A_126 = arith.constant 0 : i32
        %dma_start3A_127 = tpu.memref_slice %arg2[%dma_start3A_125, %dma_start3A_126] : memref<20480x144xf32, #tpu.memory_space<hbm>> -> memref<20480x144xf32, #tpu.memory_space<hbm>>
        tpu.enqueue_indirect_dma source(%dma_start3A_127 : memref<20480x144xf32, #tpu.memory_space<hbm>>) target(%arg16 : memref<64x144xf32, #tpu.memory_space<vmem>>) offsets(%arg8 : memref<64xi32, #tpu.memory_space<vmem>>) semaphore(%arg21 : memref<!tpu.dma_semaphore, #tpu.memory_space<semaphore_mem>>)
      } else {
      }
      %add3A_96 = arith.constant 3 : i32
      %add3A_97 = arith.addi %mul3A_53, %add3A_96 : i32
      %dma_wait3A_98 = arith.constant 0 : i32
      %dma_wait3A_99 = arith.constant 0 : i32
      %dma_wait3A_100 = tpu.memref_slice %arg2[%dma_wait3A_98, %dma_wait3A_99] : memref<20480x144xf32, #tpu.memory_space<hbm>> -> memref<20480x144xf32, #tpu.memory_space<hbm>>
      tpu.wait_indirect_dma semaphore(%arg23 : memref<!tpu.dma_semaphore, #tpu.memory_space<semaphore_mem>>) src(%dma_wait3A_100 : memref<20480x144xf32, #tpu.memory_space<hbm>>) dst(%arg18 : memref<64x144xf32, #tpu.memory_space<vmem>>)
      %dma_start3A_101 = arith.constant 0 : i32
      %dma_start3A_102 = arith.constant 0 : i32
      %dma_start3A_103 = tpu.memref_slice %arg19[%dma_start3A_101, %dma_start3A_102] : memref<10240x144xf32, #tpu.memory_space<vmem_shared>> -> memref<10240x144xf32, #tpu.memory_space<vmem_shared>>
      tpu.enqueue_indirect_dma source(%arg18 : memref<64x144xf32, #tpu.memory_space<vmem>>) target(%dma_start3A_103 : memref<10240x144xf32, #tpu.memory_space<vmem_shared>>) offsets(%arg14 : memref<64xi32, #tpu.memory_space<vmem>>) semaphore(%arg27 : memref<!tpu.dma_semaphore, #tpu.memory_space<semaphore_mem>>) {add = true}
      %add3A_104 = arith.constant 3 : i32
      %add3A_105 = arith.addi %add3A_97, %add3A_104 : i32
      %lt3A_106 = arith.constant 320 : i32
      %lt3A_107 = arith.cmpi slt, %add3A_105, %lt3A_106 : i32
      %convert_element_type3A_108 = arith.extui %lt3A_107 : i1 to i32
      %cond3A_109 = arith.constant 0 : i32
      %cond3A_110 = arith.cmpi ne, %convert_element_type3A_108, %cond3A_109 : i32
      scf.if %cond3A_110 {
        %ge3A = arith.constant 1 : i32
        %ge3A_111 = arith.cmpi sge, %add3A_97, %ge3A : i32
        %convert_element_type3A_112 = arith.extui %ge3A_111 : i1 to i32
        %cond3A_113 = arith.constant 0 : i32
        %cond3A_114 = arith.cmpi ne, %convert_element_type3A_112, %cond3A_113 : i32
        scf.if %cond3A_114 {
          %dma_wait3A_128 = arith.constant 0 : i32
          %dma_wait3A_129 = arith.constant 0 : i32
          %dma_wait3A_130 = tpu.memref_slice %arg19[%dma_wait3A_128, %dma_wait3A_129] : memref<10240x144xf32, #tpu.memory_space<vmem_shared>> -> memref<10240x144xf32, #tpu.memory_space<vmem_shared>>
          tpu.wait_indirect_dma semaphore(%arg26 : memref<!tpu.dma_semaphore, #tpu.memory_space<semaphore_mem>>) src(%arg17 : memref<64x144xf32, #tpu.memory_space<vmem>>) dst(%dma_wait3A_130 : memref<10240x144xf32, #tpu.memory_space<vmem_shared>>)
        } else {
        }
        %add3A_115 = arith.constant 3 : i32
        %add3A_116 = arith.addi %add3A_97, %add3A_115 : i32
        %mul3A_117 = arith.constant 64 : i32
        %mul3A_118 = arith.muli %add3A_116, %mul3A_117 : i32
        %add3A_119 = arith.addi %add3A, %mul3A_118 : i32
        "tpu.region"() ({
          %run_scoped3A = tpu.sem_alloc : memref<!tpu.dma_semaphore, #tpu.memory_space<semaphore_mem>>
          %dma_start3A_128 = tpu.memref_slice %arg3[%add3A_119] : memref<655360xi32, #tpu.memory_space<hbm>> -> memref<64xi32, #tpu.memory_space<hbm>>
          %dma_start3A_129 = tpu.memref_slice %arg3[%add3A_119] : memref<655360xi32, #tpu.memory_space<hbm>> -> memref<64xi32, #tpu.memory_space<hbm>>
          tpu.enqueue_dma source(%dma_start3A_129 : memref<64xi32, #tpu.memory_space<hbm>>) target(%arg9 : memref<64xi32, #tpu.memory_space<vmem>>) target_semaphore(%run_scoped3A : memref<!tpu.dma_semaphore, #tpu.memory_space<semaphore_mem>>)
          %dma_wait3A_130 = tpu.memref_slice %arg3[%add3A_119] : memref<655360xi32, #tpu.memory_space<hbm>> -> memref<64xi32, #tpu.memory_space<hbm>>
          %dma_wait3A_131 = tpu.memref_slice %arg3[%add3A_119] : memref<655360xi32, #tpu.memory_space<hbm>> -> memref<64xi32, #tpu.memory_space<hbm>>
          tpu.wait_dma2 semaphore(%run_scoped3A : memref<!tpu.dma_semaphore, #tpu.memory_space<semaphore_mem>>) src(%dma_wait3A_131 : memref<64xi32, #tpu.memory_space<hbm>>) dst(%arg9 : memref<64xi32, #tpu.memory_space<vmem>>)
          tpu.yield
        }) : () -> ()
        %add3A_120 = arith.constant 3 : i32
        %add3A_121 = arith.addi %add3A_97, %add3A_120 : i32
        %mul3A_122 = arith.constant 64 : i32
        %mul3A_123 = arith.muli %add3A_121, %mul3A_122 : i32
        %add3A_124 = arith.addi %mul3A_6, %mul3A_123 : i32
        "tpu.region"() ({
          %run_scoped3A = tpu.sem_alloc : memref<!tpu.dma_semaphore, #tpu.memory_space<semaphore_mem>>
          %dma_start3A_128 = tpu.memref_slice %arg4[%add3A_124] : memref<327680xi32, #tpu.memory_space<hbm>> -> memref<64xi32, #tpu.memory_space<hbm>>
          %dma_start3A_129 = tpu.memref_slice %arg4[%add3A_124] : memref<327680xi32, #tpu.memory_space<hbm>> -> memref<64xi32, #tpu.memory_space<hbm>>
          tpu.enqueue_dma source(%dma_start3A_129 : memref<64xi32, #tpu.memory_space<hbm>>) target(%arg13 : memref<64xi32, #tpu.memory_space<vmem>>) target_semaphore(%run_scoped3A : memref<!tpu.dma_semaphore, #tpu.memory_space<semaphore_mem>>)
          %dma_wait3A_130 = tpu.memref_slice %arg4[%add3A_124] : memref<327680xi32, #tpu.memory_space<hbm>> -> memref<64xi32, #tpu.memory_space<hbm>>
          %dma_wait3A_131 = tpu.memref_slice %arg4[%add3A_124] : memref<327680xi32, #tpu.memory_space<hbm>> -> memref<64xi32, #tpu.memory_space<hbm>>
          tpu.wait_dma2 semaphore(%run_scoped3A : memref<!tpu.dma_semaphore, #tpu.memory_space<semaphore_mem>>) src(%dma_wait3A_131 : memref<64xi32, #tpu.memory_space<hbm>>) dst(%arg13 : memref<64xi32, #tpu.memory_space<vmem>>)
          tpu.yield
        }) : () -> ()
        %dma_start3A_125 = arith.constant 0 : i32
        %dma_start3A_126 = arith.constant 0 : i32
        %dma_start3A_127 = tpu.memref_slice %arg2[%dma_start3A_125, %dma_start3A_126] : memref<20480x144xf32, #tpu.memory_space<hbm>> -> memref<20480x144xf32, #tpu.memory_space<hbm>>
        tpu.enqueue_indirect_dma source(%dma_start3A_127 : memref<20480x144xf32, #tpu.memory_space<hbm>>) target(%arg17 : memref<64x144xf32, #tpu.memory_space<vmem>>) offsets(%arg9 : memref<64xi32, #tpu.memory_space<vmem>>) semaphore(%arg22 : memref<!tpu.dma_semaphore, #tpu.memory_space<semaphore_mem>>)
      } else {
      }
    }
    %scan3A_31 = arith.constant 80 : i32
    %dma_wait3A = arith.constant 0 : i32
    %dma_wait3A_32 = arith.constant 0 : i32
    %dma_wait3A_33 = tpu.memref_slice %arg19[%dma_wait3A, %dma_wait3A_32] : memref<10240x144xf32, #tpu.memory_space<vmem_shared>> -> memref<10240x144xf32, #tpu.memory_space<vmem_shared>>
    tpu.wait_indirect_dma semaphore(%arg24 : memref<!tpu.dma_semaphore, #tpu.memory_space<semaphore_mem>>) src(%arg15 : memref<64x144xf32, #tpu.memory_space<vmem>>) dst(%dma_wait3A_33 : memref<10240x144xf32, #tpu.memory_space<vmem_shared>>)
    %dma_wait3A_34 = arith.constant 0 : i32
    %dma_wait3A_35 = arith.constant 0 : i32
    %dma_wait3A_36 = tpu.memref_slice %arg19[%dma_wait3A_34, %dma_wait3A_35] : memref<10240x144xf32, #tpu.memory_space<vmem_shared>> -> memref<10240x144xf32, #tpu.memory_space<vmem_shared>>
    tpu.wait_indirect_dma semaphore(%arg25 : memref<!tpu.dma_semaphore, #tpu.memory_space<semaphore_mem>>) src(%arg16 : memref<64x144xf32, #tpu.memory_space<vmem>>) dst(%dma_wait3A_36 : memref<10240x144xf32, #tpu.memory_space<vmem_shared>>)
    %dma_wait3A_37 = arith.constant 0 : i32
    %dma_wait3A_38 = arith.constant 0 : i32
    %dma_wait3A_39 = tpu.memref_slice %arg19[%dma_wait3A_37, %dma_wait3A_38] : memref<10240x144xf32, #tpu.memory_space<vmem_shared>> -> memref<10240x144xf32, #tpu.memory_space<vmem_shared>>
    tpu.wait_indirect_dma semaphore(%arg26 : memref<!tpu.dma_semaphore, #tpu.memory_space<semaphore_mem>>) src(%arg17 : memref<64x144xf32, #tpu.memory_space<vmem>>) dst(%dma_wait3A_39 : memref<10240x144xf32, #tpu.memory_space<vmem_shared>>)
    %dma_wait3A_40 = arith.constant 0 : i32
    %dma_wait3A_41 = arith.constant 0 : i32
    %dma_wait3A_42 = tpu.memref_slice %arg19[%dma_wait3A_40, %dma_wait3A_41] : memref<10240x144xf32, #tpu.memory_space<vmem_shared>> -> memref<10240x144xf32, #tpu.memory_space<vmem_shared>>
    tpu.wait_indirect_dma semaphore(%arg27 : memref<!tpu.dma_semaphore, #tpu.memory_space<semaphore_mem>>) src(%arg18 : memref<64x144xf32, #tpu.memory_space<vmem>>) dst(%dma_wait3A_42 : memref<10240x144xf32, #tpu.memory_space<vmem_shared>>)
    %barrier3A_43 = arith.constant 0 : index
    tpu.barrier barrier_id(%barrier3A_43)
    %mul3A_44 = arith.constant 640 : i32
    %mul3A_45 = arith.muli %arg1, %mul3A_44 : i32
    %mul3A_46 = arith.constant 10240 : i32
    %mul3A_47 = arith.muli %arg0, %mul3A_46 : i32
    %mul3A_48 = arith.constant 640 : i32
    %mul3A_49 = arith.muli %arg1, %mul3A_48 : i32
    %add3A_50 = arith.addi %mul3A_47, %mul3A_49 : i32
    "tpu.region"() ({
      %run_scoped3A = tpu.sem_alloc : memref<!tpu.dma_semaphore, #tpu.memory_space<semaphore_mem>>
      %dma_start3A_51 = arith.constant 0 : i32
      %dma_start3A_52 = tpu.memref_slice %arg6[%add3A_50, %dma_start3A_51] : memref<20480x144xf32, #tpu.memory_space<hbm>> -> memref<640x144xf32, #tpu.memory_space<hbm>>
      %dma_start3A_53 = arith.constant 0 : i32
      %dma_start3A_54 = tpu.memref_slice %arg19[%mul3A_45, %dma_start3A_53] : memref<10240x144xf32, #tpu.memory_space<vmem_shared>> -> memref<640x144xf32, #tpu.memory_space<vmem_shared>>
      tpu.enqueue_dma source(%dma_start3A_54 : memref<640x144xf32, #tpu.memory_space<vmem_shared>>) target(%dma_start3A_52 : memref<640x144xf32, #tpu.memory_space<hbm>>) target_semaphore(%run_scoped3A : memref<!tpu.dma_semaphore, #tpu.memory_space<semaphore_mem>>)
      %dma_wait3A_55 = arith.constant 0 : i32
      %dma_wait3A_56 = tpu.memref_slice %arg6[%add3A_50, %dma_wait3A_55] : memref<20480x144xf32, #tpu.memory_space<hbm>> -> memref<640x144xf32, #tpu.memory_space<hbm>>
      %dma_wait3A_57 = arith.constant 0 : i32
      %dma_wait3A_58 = tpu.memref_slice %arg19[%mul3A_45, %dma_wait3A_57] : memref<10240x144xf32, #tpu.memory_space<vmem_shared>> -> memref<640x144xf32, #tpu.memory_space<vmem_shared>>
      tpu.wait_dma2 semaphore(%run_scoped3A : memref<!tpu.dma_semaphore, #tpu.memory_space<semaphore_mem>>) src(%dma_wait3A_58 : memref<640x144xf32, #tpu.memory_space<vmem_shared>>) dst(%dma_wait3A_56 : memref<640x144xf32, #tpu.memory_space<hbm>>)
      tpu.yield
    }) : () -> ()
    return
  }
}

#map = affine_map<(d0, d1) -> (0, 0)>
#map1 = affine_map<(d0, d1) -> (0, 0, 0)>
module attributes {stable_mosaic.version = 14 : i64} {
  func.func @_sc_spmm2(%arg0: i32, %arg1: i32, %arg2: memref<10240x32xf32, #tpu.memory_space<hbm>>, %arg3: memref<2560x2x128xi32, #tpu.memory_space<hbm>>, %arg4: memref<640x32xf32, #tpu.memory_space<hbm>>, %arg5: memref<20480x32xf32, #tpu.memory_space<hbm>>, %arg6: memref<2x128xi32, #tpu.memory_space<vmem>>, %arg7: memref<2x128xi32, #tpu.memory_space<vmem>>, %arg8: memref<128x32xf32, #tpu.memory_space<vmem>>, %arg9: memref<128x32xf32, #tpu.memory_space<vmem>>, %arg10: memref<10240x32xf32, #tpu.memory_space<vmem_shared>>, %arg11: memref<10240x32xf32, #tpu.memory_space<vmem_shared>>, %arg12: memref<!tpu.dma_semaphore, #tpu.memory_space<semaphore_mem>>, %arg13: memref<!tpu.dma_semaphore, #tpu.memory_space<semaphore_mem>>) attributes {dimension_semantics = [#tpu.dimension_semantics<core_parallel>, #tpu.dimension_semantics<subcore_parallel>], iteration_bounds = array<i64: 2, 16>, scalar_prefetch = 0 : i64, scratch_operands = 8 : i64, tpu.core_type = #tpu.core_type<sc_vector_subcore>, window_params = [{transform_indices = #map}, {transform_indices = #map1}, {transform_indices = #map}, {transform_indices = #map}]} {
    %mul3A = arith.constant 640 : i32
    %mul3A_0 = arith.muli %arg1, %mul3A : i32
    "tpu.region"() ({
      %run_scoped3A = tpu.sem_alloc : memref<!tpu.dma_semaphore, #tpu.memory_space<semaphore_mem>>
      %dma_start3A_39 = arith.constant 0 : i32
      %dma_start3A_40 = tpu.memref_slice %arg10[%mul3A_0, %dma_start3A_39] : memref<10240x32xf32, #tpu.memory_space<vmem_shared>> -> memref<640x32xf32, #tpu.memory_space<vmem_shared>>
      tpu.enqueue_dma source(%arg4 : memref<640x32xf32, #tpu.memory_space<hbm>>) target(%dma_start3A_40 : memref<640x32xf32, #tpu.memory_space<vmem_shared>>) target_semaphore(%run_scoped3A : memref<!tpu.dma_semaphore, #tpu.memory_space<semaphore_mem>>)
      %dma_wait3A = arith.constant 0 : i32
      %dma_wait3A_41 = tpu.memref_slice %arg10[%mul3A_0, %dma_wait3A] : memref<10240x32xf32, #tpu.memory_space<vmem_shared>> -> memref<640x32xf32, #tpu.memory_space<vmem_shared>>
      tpu.wait_dma2 semaphore(%run_scoped3A : memref<!tpu.dma_semaphore, #tpu.memory_space<semaphore_mem>>) src(%arg4 : memref<640x32xf32, #tpu.memory_space<hbm>>) dst(%dma_wait3A_41 : memref<640x32xf32, #tpu.memory_space<vmem_shared>>)
      tpu.yield
    }) : () -> ()
    %mul3A_1 = arith.constant 640 : i32
    %mul3A_2 = arith.muli %arg1, %mul3A_1 : i32
    %mul3A_3 = arith.constant 640 : i32
    %mul3A_4 = arith.muli %arg1, %mul3A_3 : i32
    "tpu.region"() ({
      %run_scoped3A = tpu.sem_alloc : memref<!tpu.dma_semaphore, #tpu.memory_space<semaphore_mem>>
      %dma_start3A_39 = arith.constant 0 : i32
      %dma_start3A_40 = tpu.memref_slice %arg11[%mul3A_4, %dma_start3A_39] : memref<10240x32xf32, #tpu.memory_space<vmem_shared>> -> memref<640x32xf32, #tpu.memory_space<vmem_shared>>
      %dma_start3A_41 = arith.constant 0 : i32
      %dma_start3A_42 = tpu.memref_slice %arg2[%mul3A_2, %dma_start3A_41] : memref<10240x32xf32, #tpu.memory_space<hbm>> -> memref<640x32xf32, #tpu.memory_space<hbm>>
      tpu.enqueue_dma source(%dma_start3A_42 : memref<640x32xf32, #tpu.memory_space<hbm>>) target(%dma_start3A_40 : memref<640x32xf32, #tpu.memory_space<vmem_shared>>) target_semaphore(%run_scoped3A : memref<!tpu.dma_semaphore, #tpu.memory_space<semaphore_mem>>)
      %dma_wait3A = arith.constant 0 : i32
      %dma_wait3A_43 = tpu.memref_slice %arg11[%mul3A_4, %dma_wait3A] : memref<10240x32xf32, #tpu.memory_space<vmem_shared>> -> memref<640x32xf32, #tpu.memory_space<vmem_shared>>
      %dma_wait3A_44 = arith.constant 0 : i32
      %dma_wait3A_45 = tpu.memref_slice %arg2[%mul3A_2, %dma_wait3A_44] : memref<10240x32xf32, #tpu.memory_space<hbm>> -> memref<640x32xf32, #tpu.memory_space<hbm>>
      tpu.wait_dma2 semaphore(%run_scoped3A : memref<!tpu.dma_semaphore, #tpu.memory_space<semaphore_mem>>) src(%dma_wait3A_45 : memref<640x32xf32, #tpu.memory_space<hbm>>) dst(%dma_wait3A_43 : memref<640x32xf32, #tpu.memory_space<vmem_shared>>)
      tpu.yield
    }) : () -> ()
    %barrier3A = arith.constant 0 : index
    tpu.barrier barrier_id(%barrier3A)
    %mul3A_5 = arith.constant 16 : i32
    %mul3A_6 = arith.muli %arg0, %mul3A_5 : i32
    %add3A = arith.addi %mul3A_6, %arg1 : i32
    %mul3A_7 = arith.constant 80 : i32
    %mul3A_8 = arith.muli %add3A, %mul3A_7 : i32
    %add3A_9 = arith.constant 0 : i32
    %add3A_10 = arith.addi %mul3A_8, %add3A_9 : i32
    "tpu.region"() ({
      %run_scoped3A = tpu.sem_alloc : memref<!tpu.dma_semaphore, #tpu.memory_space<semaphore_mem>>
      %dma_start3A_39 = arith.constant 0 : i32
      %dma_start3A_40 = arith.constant 0 : i32
      %dma_start3A_41 = tpu.memref_slice %arg3[%add3A_10, %dma_start3A_39, %dma_start3A_40] : memref<2560x2x128xi32, #tpu.memory_space<hbm>> -> memref<1x2x128xi32, #tpu.memory_space<hbm>>
      %dma_start3A_42 = tpu.memref_squeeze %dma_start3A_41 : memref<1x2x128xi32, #tpu.memory_space<hbm>> -> memref<2x128xi32, #tpu.memory_space<hbm>>
      %dma_start3A_43 = arith.constant 0 : i32
      %dma_start3A_44 = arith.constant 0 : i32
      %dma_start3A_45 = tpu.memref_slice %arg3[%add3A_10, %dma_start3A_43, %dma_start3A_44] : memref<2560x2x128xi32, #tpu.memory_space<hbm>> -> memref<1x2x128xi32, #tpu.memory_space<hbm>>
      %dma_start3A_46 = tpu.memref_squeeze %dma_start3A_45 : memref<1x2x128xi32, #tpu.memory_space<hbm>> -> memref<2x128xi32, #tpu.memory_space<hbm>>
      tpu.enqueue_dma source(%dma_start3A_46 : memref<2x128xi32, #tpu.memory_space<hbm>>) target(%arg6 : memref<2x128xi32, #tpu.memory_space<vmem>>) target_semaphore(%run_scoped3A : memref<!tpu.dma_semaphore, #tpu.memory_space<semaphore_mem>>)
      %dma_wait3A = arith.constant 0 : i32
      %dma_wait3A_47 = arith.constant 0 : i32
      %dma_wait3A_48 = tpu.memref_slice %arg3[%add3A_10, %dma_wait3A, %dma_wait3A_47] : memref<2560x2x128xi32, #tpu.memory_space<hbm>> -> memref<1x2x128xi32, #tpu.memory_space<hbm>>
      %dma_wait3A_49 = tpu.memref_squeeze %dma_wait3A_48 : memref<1x2x128xi32, #tpu.memory_space<hbm>> -> memref<2x128xi32, #tpu.memory_space<hbm>>
      %dma_wait3A_50 = arith.constant 0 : i32
      %dma_wait3A_51 = arith.constant 0 : i32
      %dma_wait3A_52 = tpu.memref_slice %arg3[%add3A_10, %dma_wait3A_50, %dma_wait3A_51] : memref<2560x2x128xi32, #tpu.memory_space<hbm>> -> memref<1x2x128xi32, #tpu.memory_space<hbm>>
      %dma_wait3A_53 = tpu.memref_squeeze %dma_wait3A_52 : memref<1x2x128xi32, #tpu.memory_space<hbm>> -> memref<2x128xi32, #tpu.memory_space<hbm>>
      tpu.wait_dma2 semaphore(%run_scoped3A : memref<!tpu.dma_semaphore, #tpu.memory_space<semaphore_mem>>) src(%dma_wait3A_53 : memref<2x128xi32, #tpu.memory_space<hbm>>) dst(%arg6 : memref<2x128xi32, #tpu.memory_space<vmem>>)
      tpu.yield
    }) : () -> ()
    %dma_start3A = arith.constant 0 : i32
    %dma_start3A_11 = arith.constant 0 : i32
    %dma_start3A_12 = tpu.memref_slice %arg6[%dma_start3A, %dma_start3A_11] : memref<2x128xi32, #tpu.memory_space<vmem>> -> memref<1x128xi32, #tpu.memory_space<vmem>>
    %dma_start3A_13 = tpu.memref_squeeze %dma_start3A_12 : memref<1x128xi32, #tpu.memory_space<vmem>> -> memref<128xi32, #tpu.memory_space<vmem>>
    %dma_start3A_14 = arith.constant 0 : i32
    %dma_start3A_15 = arith.constant 0 : i32
    %dma_start3A_16 = tpu.memref_slice %arg11[%dma_start3A_14, %dma_start3A_15] : memref<10240x32xf32, #tpu.memory_space<vmem_shared>> -> memref<10240x32xf32, #tpu.memory_space<vmem_shared>>
    tpu.enqueue_indirect_dma source(%dma_start3A_16 : memref<10240x32xf32, #tpu.memory_space<vmem_shared>>) target(%arg8 : memref<128x32xf32, #tpu.memory_space<vmem>>) offsets(%dma_start3A_13 : memref<128xi32, #tpu.memory_space<vmem>>) semaphore(%arg12 : memref<!tpu.dma_semaphore, #tpu.memory_space<semaphore_mem>>)
    %add3A_17 = arith.constant 1 : i32
    %add3A_18 = arith.addi %mul3A_8, %add3A_17 : i32
    "tpu.region"() ({
      %run_scoped3A = tpu.sem_alloc : memref<!tpu.dma_semaphore, #tpu.memory_space<semaphore_mem>>
      %dma_start3A_39 = arith.constant 0 : i32
      %dma_start3A_40 = arith.constant 0 : i32
      %dma_start3A_41 = tpu.memref_slice %arg3[%add3A_18, %dma_start3A_39, %dma_start3A_40] : memref<2560x2x128xi32, #tpu.memory_space<hbm>> -> memref<1x2x128xi32, #tpu.memory_space<hbm>>
      %dma_start3A_42 = tpu.memref_squeeze %dma_start3A_41 : memref<1x2x128xi32, #tpu.memory_space<hbm>> -> memref<2x128xi32, #tpu.memory_space<hbm>>
      %dma_start3A_43 = arith.constant 0 : i32
      %dma_start3A_44 = arith.constant 0 : i32
      %dma_start3A_45 = tpu.memref_slice %arg3[%add3A_18, %dma_start3A_43, %dma_start3A_44] : memref<2560x2x128xi32, #tpu.memory_space<hbm>> -> memref<1x2x128xi32, #tpu.memory_space<hbm>>
      %dma_start3A_46 = tpu.memref_squeeze %dma_start3A_45 : memref<1x2x128xi32, #tpu.memory_space<hbm>> -> memref<2x128xi32, #tpu.memory_space<hbm>>
      tpu.enqueue_dma source(%dma_start3A_46 : memref<2x128xi32, #tpu.memory_space<hbm>>) target(%arg7 : memref<2x128xi32, #tpu.memory_space<vmem>>) target_semaphore(%run_scoped3A : memref<!tpu.dma_semaphore, #tpu.memory_space<semaphore_mem>>)
      %dma_wait3A = arith.constant 0 : i32
      %dma_wait3A_47 = arith.constant 0 : i32
      %dma_wait3A_48 = tpu.memref_slice %arg3[%add3A_18, %dma_wait3A, %dma_wait3A_47] : memref<2560x2x128xi32, #tpu.memory_space<hbm>> -> memref<1x2x128xi32, #tpu.memory_space<hbm>>
      %dma_wait3A_49 = tpu.memref_squeeze %dma_wait3A_48 : memref<1x2x128xi32, #tpu.memory_space<hbm>> -> memref<2x128xi32, #tpu.memory_space<hbm>>
      %dma_wait3A_50 = arith.constant 0 : i32
      %dma_wait3A_51 = arith.constant 0 : i32
      %dma_wait3A_52 = tpu.memref_slice %arg3[%add3A_18, %dma_wait3A_50, %dma_wait3A_51] : memref<2560x2x128xi32, #tpu.memory_space<hbm>> -> memref<1x2x128xi32, #tpu.memory_space<hbm>>
      %dma_wait3A_53 = tpu.memref_squeeze %dma_wait3A_52 : memref<1x2x128xi32, #tpu.memory_space<hbm>> -> memref<2x128xi32, #tpu.memory_space<hbm>>
      tpu.wait_dma2 semaphore(%run_scoped3A : memref<!tpu.dma_semaphore, #tpu.memory_space<semaphore_mem>>) src(%dma_wait3A_53 : memref<2x128xi32, #tpu.memory_space<hbm>>) dst(%arg7 : memref<2x128xi32, #tpu.memory_space<vmem>>)
      tpu.yield
    }) : () -> ()
    %dma_start3A_19 = arith.constant 0 : i32
    %dma_start3A_20 = arith.constant 0 : i32
    %dma_start3A_21 = tpu.memref_slice %arg7[%dma_start3A_19, %dma_start3A_20] : memref<2x128xi32, #tpu.memory_space<vmem>> -> memref<1x128xi32, #tpu.memory_space<vmem>>
    %dma_start3A_22 = tpu.memref_squeeze %dma_start3A_21 : memref<1x128xi32, #tpu.memory_space<vmem>> -> memref<128xi32, #tpu.memory_space<vmem>>
    %dma_start3A_23 = arith.constant 0 : i32
    %dma_start3A_24 = arith.constant 0 : i32
    %dma_start3A_25 = tpu.memref_slice %arg11[%dma_start3A_23, %dma_start3A_24] : memref<10240x32xf32, #tpu.memory_space<vmem_shared>> -> memref<10240x32xf32, #tpu.memory_space<vmem_shared>>
    tpu.enqueue_indirect_dma source(%dma_start3A_25 : memref<10240x32xf32, #tpu.memory_space<vmem_shared>>) target(%arg9 : memref<128x32xf32, #tpu.memory_space<vmem>>) offsets(%dma_start3A_22 : memref<128xi32, #tpu.memory_space<vmem>>) semaphore(%arg13 : memref<!tpu.dma_semaphore, #tpu.memory_space<semaphore_mem>>)
    %scan3A = arith.constant 0 : i32
    %scan3A_26 = arith.constant 0 : i32
    %scan3A_27 = arith.constant 40 : i32
    %scan3A_28 = arith.addi %scan3A_26, %scan3A_27 : i32
    %scan3A_29 = arith.constant 1 : i32
    scf.for %scan3A_39 = %scan3A_26 to %scan3A_28 step %scan3A_29  : i32 {
      %mul3A_40 = arith.constant 2 : i32
      %mul3A_41 = arith.muli %scan3A_39, %mul3A_40 : i32
      %add3A_42 = arith.constant 0 : i32
      %add3A_43 = arith.addi %mul3A_41, %add3A_42 : i32
      %dma_wait3A = arith.constant 0 : i32
      %dma_wait3A_44 = arith.constant 0 : i32
      %dma_wait3A_45 = tpu.memref_slice %arg6[%dma_wait3A, %dma_wait3A_44] : memref<2x128xi32, #tpu.memory_space<vmem>> -> memref<1x128xi32, #tpu.memory_space<vmem>>
      %dma_wait3A_46 = tpu.memref_squeeze %dma_wait3A_45 : memref<1x128xi32, #tpu.memory_space<vmem>> -> memref<128xi32, #tpu.memory_space<vmem>>
      %dma_wait3A_47 = arith.constant 0 : i32
      %dma_wait3A_48 = arith.constant 0 : i32
      %dma_wait3A_49 = tpu.memref_slice %arg11[%dma_wait3A_47, %dma_wait3A_48] : memref<10240x32xf32, #tpu.memory_space<vmem_shared>> -> memref<10240x32xf32, #tpu.memory_space<vmem_shared>>
      tpu.wait_indirect_dma semaphore(%arg12 : memref<!tpu.dma_semaphore, #tpu.memory_space<semaphore_mem>>) src(%dma_wait3A_49 : memref<10240x32xf32, #tpu.memory_space<vmem_shared>>) dst(%arg8 : memref<128x32xf32, #tpu.memory_space<vmem>>)
      %run_scoped3A = arith.constant 1 : i32
      "tpu.region"() ({
        %run_scoped3A_71 = tpu.sem_alloc : memref<!tpu.dma_semaphore, #tpu.memory_space<semaphore_mem>>
        %dma_start3A_72 = arith.constant 0 : i32
        %dma_start3A_73 = tpu.memref_slice %arg6[%run_scoped3A, %dma_start3A_72] : memref<2x128xi32, #tpu.memory_space<vmem>> -> memref<1x128xi32, #tpu.memory_space<vmem>>
        %dma_start3A_74 = tpu.memref_squeeze %dma_start3A_73 : memref<1x128xi32, #tpu.memory_space<vmem>> -> memref<128xi32, #tpu.memory_space<vmem>>
        %dma_start3A_75 = arith.constant 0 : i32
        %dma_start3A_76 = arith.constant 0 : i32
        %dma_start3A_77 = tpu.memref_slice %arg10[%dma_start3A_75, %dma_start3A_76] : memref<10240x32xf32, #tpu.memory_space<vmem_shared>> -> memref<10240x32xf32, #tpu.memory_space<vmem_shared>>
        tpu.enqueue_indirect_dma source(%arg8 : memref<128x32xf32, #tpu.memory_space<vmem>>) target(%dma_start3A_77 : memref<10240x32xf32, #tpu.memory_space<vmem_shared>>) offsets(%dma_start3A_74 : memref<128xi32, #tpu.memory_space<vmem>>) semaphore(%run_scoped3A_71 : memref<!tpu.dma_semaphore, #tpu.memory_space<semaphore_mem>>) {add = true}
        %dma_wait3A_78 = arith.constant 0 : i32
        %dma_wait3A_79 = tpu.memref_slice %arg6[%run_scoped3A, %dma_wait3A_78] : memref<2x128xi32, #tpu.memory_space<vmem>> -> memref<1x128xi32, #tpu.memory_space<vmem>>
        %dma_wait3A_80 = tpu.memref_squeeze %dma_wait3A_79 : memref<1x128xi32, #tpu.memory_space<vmem>> -> memref<128xi32, #tpu.memory_space<vmem>>
        %dma_wait3A_81 = arith.constant 0 : i32
        %dma_wait3A_82 = arith.constant 0 : i32
        %dma_wait3A_83 = tpu.memref_slice %arg10[%dma_wait3A_81, %dma_wait3A_82] : memref<10240x32xf32, #tpu.memory_space<vmem_shared>> -> memref<10240x32xf32, #tpu.memory_space<vmem_shared>>
        tpu.wait_indirect_dma semaphore(%run_scoped3A_71 : memref<!tpu.dma_semaphore, #tpu.memory_space<semaphore_mem>>) src(%arg8 : memref<128x32xf32, #tpu.memory_space<vmem>>) dst(%dma_wait3A_83 : memref<10240x32xf32, #tpu.memory_space<vmem_shared>>)
        tpu.yield
      }) : () -> ()
      %add3A_50 = arith.constant 2 : i32
      %add3A_51 = arith.addi %add3A_43, %add3A_50 : i32
      %lt3A = arith.constant 80 : i32
      %lt3A_52 = arith.cmpi slt, %add3A_51, %lt3A : i32
      %convert_element_type3A = arith.extui %lt3A_52 : i1 to i32
      %cond3A = arith.constant 0 : i32
      %cond3A_53 = arith.cmpi ne, %convert_element_type3A, %cond3A : i32
      scf.if %cond3A_53 {
        %add3A_71 = arith.addi %mul3A_8, %add3A_43 : i32
        %add3A_72 = arith.constant 2 : i32
        %add3A_73 = arith.addi %add3A_71, %add3A_72 : i32
        "tpu.region"() ({
          %run_scoped3A_81 = tpu.sem_alloc : memref<!tpu.dma_semaphore, #tpu.memory_space<semaphore_mem>>
          %dma_start3A_82 = arith.constant 0 : i32
          %dma_start3A_83 = arith.constant 0 : i32
          %dma_start3A_84 = tpu.memref_slice %arg3[%add3A_73, %dma_start3A_82, %dma_start3A_83] : memref<2560x2x128xi32, #tpu.memory_space<hbm>> -> memref<1x2x128xi32, #tpu.memory_space<hbm>>
          %dma_start3A_85 = tpu.memref_squeeze %dma_start3A_84 : memref<1x2x128xi32, #tpu.memory_space<hbm>> -> memref<2x128xi32, #tpu.memory_space<hbm>>
          %dma_start3A_86 = arith.constant 0 : i32
          %dma_start3A_87 = arith.constant 0 : i32
          %dma_start3A_88 = tpu.memref_slice %arg3[%add3A_73, %dma_start3A_86, %dma_start3A_87] : memref<2560x2x128xi32, #tpu.memory_space<hbm>> -> memref<1x2x128xi32, #tpu.memory_space<hbm>>
          %dma_start3A_89 = tpu.memref_squeeze %dma_start3A_88 : memref<1x2x128xi32, #tpu.memory_space<hbm>> -> memref<2x128xi32, #tpu.memory_space<hbm>>
          tpu.enqueue_dma source(%dma_start3A_89 : memref<2x128xi32, #tpu.memory_space<hbm>>) target(%arg6 : memref<2x128xi32, #tpu.memory_space<vmem>>) target_semaphore(%run_scoped3A_81 : memref<!tpu.dma_semaphore, #tpu.memory_space<semaphore_mem>>)
          %dma_wait3A_90 = arith.constant 0 : i32
          %dma_wait3A_91 = arith.constant 0 : i32
          %dma_wait3A_92 = tpu.memref_slice %arg3[%add3A_73, %dma_wait3A_90, %dma_wait3A_91] : memref<2560x2x128xi32, #tpu.memory_space<hbm>> -> memref<1x2x128xi32, #tpu.memory_space<hbm>>
          %dma_wait3A_93 = tpu.memref_squeeze %dma_wait3A_92 : memref<1x2x128xi32, #tpu.memory_space<hbm>> -> memref<2x128xi32, #tpu.memory_space<hbm>>
          %dma_wait3A_94 = arith.constant 0 : i32
          %dma_wait3A_95 = arith.constant 0 : i32
          %dma_wait3A_96 = tpu.memref_slice %arg3[%add3A_73, %dma_wait3A_94, %dma_wait3A_95] : memref<2560x2x128xi32, #tpu.memory_space<hbm>> -> memref<1x2x128xi32, #tpu.memory_space<hbm>>
          %dma_wait3A_97 = tpu.memref_squeeze %dma_wait3A_96 : memref<1x2x128xi32, #tpu.memory_space<hbm>> -> memref<2x128xi32, #tpu.memory_space<hbm>>
          tpu.wait_dma2 semaphore(%run_scoped3A_81 : memref<!tpu.dma_semaphore, #tpu.memory_space<semaphore_mem>>) src(%dma_wait3A_97 : memref<2x128xi32, #tpu.memory_space<hbm>>) dst(%arg6 : memref<2x128xi32, #tpu.memory_space<vmem>>)
          tpu.yield
        }) : () -> ()
        %dma_start3A_74 = arith.constant 0 : i32
        %dma_start3A_75 = arith.constant 0 : i32
        %dma_start3A_76 = tpu.memref_slice %arg6[%dma_start3A_74, %dma_start3A_75] : memref<2x128xi32, #tpu.memory_space<vmem>> -> memref<1x128xi32, #tpu.memory_space<vmem>>
        %dma_start3A_77 = tpu.memref_squeeze %dma_start3A_76 : memref<1x128xi32, #tpu.memory_space<vmem>> -> memref<128xi32, #tpu.memory_space<vmem>>
        %dma_start3A_78 = arith.constant 0 : i32
        %dma_start3A_79 = arith.constant 0 : i32
        %dma_start3A_80 = tpu.memref_slice %arg11[%dma_start3A_78, %dma_start3A_79] : memref<10240x32xf32, #tpu.memory_space<vmem_shared>> -> memref<10240x32xf32, #tpu.memory_space<vmem_shared>>
        tpu.enqueue_indirect_dma source(%dma_start3A_80 : memref<10240x32xf32, #tpu.memory_space<vmem_shared>>) target(%arg8 : memref<128x32xf32, #tpu.memory_space<vmem>>) offsets(%dma_start3A_77 : memref<128xi32, #tpu.memory_space<vmem>>) semaphore(%arg12 : memref<!tpu.dma_semaphore, #tpu.memory_space<semaphore_mem>>)
      } else {
      }
      %add3A_54 = arith.constant 1 : i32
      %add3A_55 = arith.addi %mul3A_41, %add3A_54 : i32
      %dma_wait3A_56 = arith.constant 0 : i32
      %dma_wait3A_57 = arith.constant 0 : i32
      %dma_wait3A_58 = tpu.memref_slice %arg7[%dma_wait3A_56, %dma_wait3A_57] : memref<2x128xi32, #tpu.memory_space<vmem>> -> memref<1x128xi32, #tpu.memory_space<vmem>>
      %dma_wait3A_59 = tpu.memref_squeeze %dma_wait3A_58 : memref<1x128xi32, #tpu.memory_space<vmem>> -> memref<128xi32, #tpu.memory_space<vmem>>
      %dma_wait3A_60 = arith.constant 0 : i32
      %dma_wait3A_61 = arith.constant 0 : i32
      %dma_wait3A_62 = tpu.memref_slice %arg11[%dma_wait3A_60, %dma_wait3A_61] : memref<10240x32xf32, #tpu.memory_space<vmem_shared>> -> memref<10240x32xf32, #tpu.memory_space<vmem_shared>>
      tpu.wait_indirect_dma semaphore(%arg13 : memref<!tpu.dma_semaphore, #tpu.memory_space<semaphore_mem>>) src(%dma_wait3A_62 : memref<10240x32xf32, #tpu.memory_space<vmem_shared>>) dst(%arg9 : memref<128x32xf32, #tpu.memory_space<vmem>>)
      %run_scoped3A_63 = arith.constant 1 : i32
      "tpu.region"() ({
        %run_scoped3A_71 = tpu.sem_alloc : memref<!tpu.dma_semaphore, #tpu.memory_space<semaphore_mem>>
        %dma_start3A_72 = arith.constant 0 : i32
        %dma_start3A_73 = tpu.memref_slice %arg7[%run_scoped3A_63, %dma_start3A_72] : memref<2x128xi32, #tpu.memory_space<vmem>> -> memref<1x128xi32, #tpu.memory_space<vmem>>
        %dma_start3A_74 = tpu.memref_squeeze %dma_start3A_73 : memref<1x128xi32, #tpu.memory_space<vmem>> -> memref<128xi32, #tpu.memory_space<vmem>>
        %dma_start3A_75 = arith.constant 0 : i32
        %dma_start3A_76 = arith.constant 0 : i32
        %dma_start3A_77 = tpu.memref_slice %arg10[%dma_start3A_75, %dma_start3A_76] : memref<10240x32xf32, #tpu.memory_space<vmem_shared>> -> memref<10240x32xf32, #tpu.memory_space<vmem_shared>>
        tpu.enqueue_indirect_dma source(%arg9 : memref<128x32xf32, #tpu.memory_space<vmem>>) target(%dma_start3A_77 : memref<10240x32xf32, #tpu.memory_space<vmem_shared>>) offsets(%dma_start3A_74 : memref<128xi32, #tpu.memory_space<vmem>>) semaphore(%run_scoped3A_71 : memref<!tpu.dma_semaphore, #tpu.memory_space<semaphore_mem>>) {add = true}
        %dma_wait3A_78 = arith.constant 0 : i32
        %dma_wait3A_79 = tpu.memref_slice %arg7[%run_scoped3A_63, %dma_wait3A_78] : memref<2x128xi32, #tpu.memory_space<vmem>> -> memref<1x128xi32, #tpu.memory_space<vmem>>
        %dma_wait3A_80 = tpu.memref_squeeze %dma_wait3A_79 : memref<1x128xi32, #tpu.memory_space<vmem>> -> memref<128xi32, #tpu.memory_space<vmem>>
        %dma_wait3A_81 = arith.constant 0 : i32
        %dma_wait3A_82 = arith.constant 0 : i32
        %dma_wait3A_83 = tpu.memref_slice %arg10[%dma_wait3A_81, %dma_wait3A_82] : memref<10240x32xf32, #tpu.memory_space<vmem_shared>> -> memref<10240x32xf32, #tpu.memory_space<vmem_shared>>
        tpu.wait_indirect_dma semaphore(%run_scoped3A_71 : memref<!tpu.dma_semaphore, #tpu.memory_space<semaphore_mem>>) src(%arg9 : memref<128x32xf32, #tpu.memory_space<vmem>>) dst(%dma_wait3A_83 : memref<10240x32xf32, #tpu.memory_space<vmem_shared>>)
        tpu.yield
      }) : () -> ()
      %add3A_64 = arith.constant 2 : i32
      %add3A_65 = arith.addi %add3A_55, %add3A_64 : i32
      %lt3A_66 = arith.constant 80 : i32
      %lt3A_67 = arith.cmpi slt, %add3A_65, %lt3A_66 : i32
      %convert_element_type3A_68 = arith.extui %lt3A_67 : i1 to i32
      %cond3A_69 = arith.constant 0 : i32
      %cond3A_70 = arith.cmpi ne, %convert_element_type3A_68, %cond3A_69 : i32
      scf.if %cond3A_70 {
        %add3A_71 = arith.addi %mul3A_8, %add3A_55 : i32
        %add3A_72 = arith.constant 2 : i32
        %add3A_73 = arith.addi %add3A_71, %add3A_72 : i32
        "tpu.region"() ({
          %run_scoped3A_81 = tpu.sem_alloc : memref<!tpu.dma_semaphore, #tpu.memory_space<semaphore_mem>>
          %dma_start3A_82 = arith.constant 0 : i32
          %dma_start3A_83 = arith.constant 0 : i32
          %dma_start3A_84 = tpu.memref_slice %arg3[%add3A_73, %dma_start3A_82, %dma_start3A_83] : memref<2560x2x128xi32, #tpu.memory_space<hbm>> -> memref<1x2x128xi32, #tpu.memory_space<hbm>>
          %dma_start3A_85 = tpu.memref_squeeze %dma_start3A_84 : memref<1x2x128xi32, #tpu.memory_space<hbm>> -> memref<2x128xi32, #tpu.memory_space<hbm>>
          %dma_start3A_86 = arith.constant 0 : i32
          %dma_start3A_87 = arith.constant 0 : i32
          %dma_start3A_88 = tpu.memref_slice %arg3[%add3A_73, %dma_start3A_86, %dma_start3A_87] : memref<2560x2x128xi32, #tpu.memory_space<hbm>> -> memref<1x2x128xi32, #tpu.memory_space<hbm>>
          %dma_start3A_89 = tpu.memref_squeeze %dma_start3A_88 : memref<1x2x128xi32, #tpu.memory_space<hbm>> -> memref<2x128xi32, #tpu.memory_space<hbm>>
          tpu.enqueue_dma source(%dma_start3A_89 : memref<2x128xi32, #tpu.memory_space<hbm>>) target(%arg7 : memref<2x128xi32, #tpu.memory_space<vmem>>) target_semaphore(%run_scoped3A_81 : memref<!tpu.dma_semaphore, #tpu.memory_space<semaphore_mem>>)
          %dma_wait3A_90 = arith.constant 0 : i32
          %dma_wait3A_91 = arith.constant 0 : i32
          %dma_wait3A_92 = tpu.memref_slice %arg3[%add3A_73, %dma_wait3A_90, %dma_wait3A_91] : memref<2560x2x128xi32, #tpu.memory_space<hbm>> -> memref<1x2x128xi32, #tpu.memory_space<hbm>>
          %dma_wait3A_93 = tpu.memref_squeeze %dma_wait3A_92 : memref<1x2x128xi32, #tpu.memory_space<hbm>> -> memref<2x128xi32, #tpu.memory_space<hbm>>
          %dma_wait3A_94 = arith.constant 0 : i32
          %dma_wait3A_95 = arith.constant 0 : i32
          %dma_wait3A_96 = tpu.memref_slice %arg3[%add3A_73, %dma_wait3A_94, %dma_wait3A_95] : memref<2560x2x128xi32, #tpu.memory_space<hbm>> -> memref<1x2x128xi32, #tpu.memory_space<hbm>>
          %dma_wait3A_97 = tpu.memref_squeeze %dma_wait3A_96 : memref<1x2x128xi32, #tpu.memory_space<hbm>> -> memref<2x128xi32, #tpu.memory_space<hbm>>
          tpu.wait_dma2 semaphore(%run_scoped3A_81 : memref<!tpu.dma_semaphore, #tpu.memory_space<semaphore_mem>>) src(%dma_wait3A_97 : memref<2x128xi32, #tpu.memory_space<hbm>>) dst(%arg7 : memref<2x128xi32, #tpu.memory_space<vmem>>)
          tpu.yield
        }) : () -> ()
        %dma_start3A_74 = arith.constant 0 : i32
        %dma_start3A_75 = arith.constant 0 : i32
        %dma_start3A_76 = tpu.memref_slice %arg7[%dma_start3A_74, %dma_start3A_75] : memref<2x128xi32, #tpu.memory_space<vmem>> -> memref<1x128xi32, #tpu.memory_space<vmem>>
        %dma_start3A_77 = tpu.memref_squeeze %dma_start3A_76 : memref<1x128xi32, #tpu.memory_space<vmem>> -> memref<128xi32, #tpu.memory_space<vmem>>
        %dma_start3A_78 = arith.constant 0 : i32
        %dma_start3A_79 = arith.constant 0 : i32
        %dma_start3A_80 = tpu.memref_slice %arg11[%dma_start3A_78, %dma_start3A_79] : memref<10240x32xf32, #tpu.memory_space<vmem_shared>> -> memref<10240x32xf32, #tpu.memory_space<vmem_shared>>
        tpu.enqueue_indirect_dma source(%dma_start3A_80 : memref<10240x32xf32, #tpu.memory_space<vmem_shared>>) target(%arg9 : memref<128x32xf32, #tpu.memory_space<vmem>>) offsets(%dma_start3A_77 : memref<128xi32, #tpu.memory_space<vmem>>) semaphore(%arg13 : memref<!tpu.dma_semaphore, #tpu.memory_space<semaphore_mem>>)
      } else {
      }
    }
    %scan3A_30 = arith.constant 40 : i32
    %barrier3A_31 = arith.constant 0 : index
    tpu.barrier barrier_id(%barrier3A_31)
    %mul3A_32 = arith.constant 640 : i32
    %mul3A_33 = arith.muli %arg1, %mul3A_32 : i32
    %mul3A_34 = arith.constant 10240 : i32
    %mul3A_35 = arith.muli %arg0, %mul3A_34 : i32
    %mul3A_36 = arith.constant 640 : i32
    %mul3A_37 = arith.muli %arg1, %mul3A_36 : i32
    %add3A_38 = arith.addi %mul3A_35, %mul3A_37 : i32
    "tpu.region"() ({
      %run_scoped3A = tpu.sem_alloc : memref<!tpu.dma_semaphore, #tpu.memory_space<semaphore_mem>>
      %dma_start3A_39 = arith.constant 0 : i32
      %dma_start3A_40 = tpu.memref_slice %arg5[%add3A_38, %dma_start3A_39] : memref<20480x32xf32, #tpu.memory_space<hbm>> -> memref<640x32xf32, #tpu.memory_space<hbm>>
      %dma_start3A_41 = arith.constant 0 : i32
      %dma_start3A_42 = tpu.memref_slice %arg10[%mul3A_33, %dma_start3A_41] : memref<10240x32xf32, #tpu.memory_space<vmem_shared>> -> memref<640x32xf32, #tpu.memory_space<vmem_shared>>
      tpu.enqueue_dma source(%dma_start3A_42 : memref<640x32xf32, #tpu.memory_space<vmem_shared>>) target(%dma_start3A_40 : memref<640x32xf32, #tpu.memory_space<hbm>>) target_semaphore(%run_scoped3A : memref<!tpu.dma_semaphore, #tpu.memory_space<semaphore_mem>>)
      %dma_wait3A = arith.constant 0 : i32
      %dma_wait3A_43 = tpu.memref_slice %arg5[%add3A_38, %dma_wait3A] : memref<20480x32xf32, #tpu.memory_space<hbm>> -> memref<640x32xf32, #tpu.memory_space<hbm>>
      %dma_wait3A_44 = arith.constant 0 : i32
      %dma_wait3A_45 = tpu.memref_slice %arg10[%mul3A_33, %dma_wait3A_44] : memref<10240x32xf32, #tpu.memory_space<vmem_shared>> -> memref<640x32xf32, #tpu.memory_space<vmem_shared>>
      tpu.wait_dma2 semaphore(%run_scoped3A : memref<!tpu.dma_semaphore, #tpu.memory_space<semaphore_mem>>) src(%dma_wait3A_45 : memref<640x32xf32, #tpu.memory_space<vmem_shared>>) dst(%dma_wait3A_43 : memref<640x32xf32, #tpu.memory_space<hbm>>)
      tpu.yield
    }) : () -> ()
    return
  }
}

module attributes {stable_mosaic.version = 14 : i64} {
  func.func @_prep_body(%arg0: i32, %arg1: memref<2048x128xf32, #tpu.memory_space<vmem>>, %arg2: memref<2048x128xf32, #tpu.memory_space<vmem>>, %arg3: memref<2048x8xf32, #tpu.memory_space<vmem>>, %arg4: memref<128x32xf32, #tpu.memory_space<vmem>>, %arg5: memref<2x2048x144xf32, #tpu.memory_space<vmem>>) attributes {dimension_semantics = [#tpu.dimension_semantics<arbitrary>], iteration_bounds = array<i64: 5>, scalar_prefetch = 0 : i64, scratch_operands = 0 : i64, tpu.core_type = #tpu.core_type<tc>, window_params = [{transform_indices = @transform_0, window_bounds = array<i64: 2048, 128>}, {transform_indices = @transform_1, window_bounds = array<i64: 2048, 128>}, {transform_indices = @transform_2, window_bounds = array<i64: 2048, 8>}, {pipeline_mode = #tpu.pipeline_mode<synchronous>, transform_indices = @transform_3, window_bounds = array<i64: 128, 32>}, {transform_indices = @transform_4, window_bounds = array<i64: 2, 2048, 144>}]} {
    %get3A = arith.constant 0 : index
    %get3A_0 = arith.constant 0 : index
    %get3A_1 = vector.load %arg1[%get3A, %get3A_0] : memref<2048x128xf32, #tpu.memory_space<vmem>>, vector<2048x128xf32>
    %get3A_2 = arith.constant 0 : index
    %get3A_3 = arith.constant 0 : index
    %get3A_4 = vector.load %arg2[%get3A_2, %get3A_3] : memref<2048x128xf32, #tpu.memory_space<vmem>>, vector<2048x128xf32>
    %get3A_5 = arith.constant 0 : index
    %get3A_6 = arith.constant 0 : index
    %get3A_7 = vector.load %arg3[%get3A_5, %get3A_6] : memref<2048x8xf32, #tpu.memory_space<vmem>>, vector<2048x1xf32>
    %add3A = arith.constant 1.000000e+00 : f32
    %add3A_8 = vector.broadcast %add3A : f32 to vector<2048x1xf32>
    %add3A_9 = arith.addf %get3A_7, %add3A_8 : vector<2048x1xf32>
    %rsqrt3A = math.rsqrt %add3A_9 : vector<2048x1xf32>
    %mul3A = arith.mulf %get3A_4, %get3A_1 : vector<2048x128xf32>
    %sub3A = arith.subf %get3A_1, %mul3A : vector<2048x128xf32>
    %get3A_10 = arith.constant 0 : index
    %get3A_11 = arith.constant 0 : index
    %get3A_12 = vector.load %arg4[%get3A_10, %get3A_11] : memref<128x32xf32, #tpu.memory_space<vmem>>, vector<128x32xf32>
    %dot_general3A = arith.constant dense<0.000000e+00> : vector<2048x32xf32>
    %dot_general3A_13 = tpu.matmul %sub3A, %get3A_12, %dot_general3A {dimension_numbers = #tpu.dot_dimension_numbers<[1], [0], [0], [1], [0, 0, 1, 1], [], []>, transpose_lhs_hint = false} : vector<2048x128xf32>, vector<128x32xf32>, vector<2048x32xf32> -> vector<2048x32xf32>
    %slice3A = vector.extract_strided_slice %get3A_4 {offsets = [0, 0], sizes = [2048, 112], strides = [1, 1]} : vector<2048x128xf32> to vector<2048x112xf32>
    %concatenate3A = tpu.concatenate %dot_general3A_13, %slice3A in 1 : vector<2048x32xf32>, vector<2048x112xf32> -> vector<2048x144xf32>
    %mul3A_14 = vector.broadcast %rsqrt3A : vector<2048x1xf32> to vector<2048x144xf32>
    %mul3A_15 = arith.mulf %mul3A_14, %concatenate3A : vector<2048x144xf32>
    %swap3A = arith.constant 0 : index
    %swap3A_16 = arith.constant 0 : index
    %swap3A_17 = arith.constant 0 : index
    %swap3A_18 = vector.load %arg5[%swap3A, %swap3A_16, %swap3A_17] : memref<2x2048x144xf32, #tpu.memory_space<vmem>>, vector<1x2048x144xf32>
    %swap3A_19 = vector.shape_cast %swap3A_18 : vector<1x2048x144xf32> to vector<2048x144xf32>
    %swap3A_20 = vector.shape_cast %mul3A_15 : vector<2048x144xf32> to vector<1x2048x144xf32>
    tpu.vector_store %arg5[%swap3A, %swap3A_16, %swap3A_17], %swap3A_20 {strides = array<i32>} : memref<2x2048x144xf32, #tpu.memory_space<vmem>>, vector<1x2048x144xf32>,
    %slice3A_21 = vector.extract_strided_slice %get3A_4 {offsets = [0, 112], sizes = [2048, 16], strides = [1, 1]} : vector<2048x128xf32> to vector<2048x16xf32>
    %mul3A_22 = vector.broadcast %rsqrt3A : vector<2048x1xf32> to vector<2048x16xf32>
    %mul3A_23 = arith.mulf %mul3A_22, %slice3A_21 : vector<2048x16xf32>
    %mul3A_24 = arith.mulf %rsqrt3A, %rsqrt3A : vector<2048x1xf32>
    %mul3A_25 = vector.broadcast %mul3A_24 : vector<2048x1xf32> to vector<2048x128xf32>
    %mul3A_26 = arith.mulf %mul3A_25, %get3A_4 : vector<2048x128xf32>
    %concatenate3A_27 = tpu.concatenate %mul3A_23, %mul3A_26 in 1 : vector<2048x16xf32>, vector<2048x128xf32> -> vector<2048x144xf32>
    %swap3A_28 = arith.constant 1 : index
    %swap3A_29 = arith.constant 0 : index
    %swap3A_30 = arith.constant 0 : index
    %swap3A_31 = vector.load %arg5[%swap3A_28, %swap3A_29, %swap3A_30] : memref<2x2048x144xf32, #tpu.memory_space<vmem>>, vector<1x2048x144xf32>
    %swap3A_32 = vector.shape_cast %swap3A_31 : vector<1x2048x144xf32> to vector<2048x144xf32>
    %swap3A_33 = vector.shape_cast %concatenate3A_27 : vector<2048x144xf32> to vector<1x2048x144xf32>
    tpu.vector_store %arg5[%swap3A_28, %swap3A_29, %swap3A_30], %swap3A_33 {strides = array<i32>} : memref<2x2048x144xf32, #tpu.memory_space<vmem>>, vector<1x2048x144xf32>,
    return
  }
  func.func @transform_0(%arg0: i32) -> (i32, i32) {
    %c0_i32 = arith.constant 0 : i32
    %c0_i32_0 = arith.constant 0 : i32
    return %arg0, %c0_i32 : i32, i32
  }
  func.func @transform_1(%arg0: i32) -> (i32, i32) {
    %c0_i32 = arith.constant 0 : i32
    %c0_i32_0 = arith.constant 0 : i32
    return %arg0, %c0_i32 : i32, i32
  }
  func.func @transform_2(%arg0: i32) -> (i32, i32) {
    %add3A = arith.constant 5 : i32
    %add3A_0 = arith.addi %add3A, %arg0 : i32
    %c0_i32 = arith.constant 0 : i32
    %c0_i32_1 = arith.constant 0 : i32
    return %add3A_0, %c0_i32 : i32, i32
  }
  func.func @transform_3(%arg0: i32) -> (i32, i32) {
    %c0_i32 = arith.constant 0 : i32
    %c0_i32_0 = arith.constant 0 : i32
    %c0_i32_1 = arith.constant 0 : i32
    return %c0_i32, %c0_i32_0 : i32, i32
  }
  func.func @transform_4(%arg0: i32) -> (i32, i32, i32) {
    %c0_i32 = arith.constant 0 : i32
    %c0_i32_0 = arith.constant 0 : i32
    %c0_i32_1 = arith.constant 0 : i32
    return %c0_i32, %arg0, %c0_i32_0 : i32, i32, i32
  }
}

module attributes {stable_mosaic.version = 14 : i64} {
  func.func @_mix_body(%arg0: i32, %arg1: memref<2x2048x144xf32, #tpu.memory_space<vmem>>, %arg2: memref<2x2048x144xf32, #tpu.memory_space<vmem>>, %arg3: memref<2048x8xf32, #tpu.memory_space<vmem>>, %arg4: memref<2048x8xf32, #tpu.memory_space<vmem>>, %arg5: memref<2048x128xf32, #tpu.memory_space<vmem>>, %arg6: memref<2048x128xf32, #tpu.memory_space<vmem>>, %arg7: memref<128x160xf32, #tpu.memory_space<vmem>>, %arg8: memref<128x160xf32, #tpu.memory_space<vmem>>, %arg9: memref<384x128xf32, #tpu.memory_space<vmem>>, %arg10: memref<8x128xf32, #tpu.memory_space<vmem>>, %arg11: memref<8x160xf32, #tpu.memory_space<vmem>>, %arg12: memref<32x32xf32, #tpu.memory_space<vmem>>, %arg13: memref<2048x32xf32, #tpu.memory_space<vmem>>) attributes {dimension_semantics = [#tpu.dimension_semantics<arbitrary>], iteration_bounds = array<i64: 5>, scalar_prefetch = 0 : i64, scratch_operands = 0 : i64, tpu.core_type = #tpu.core_type<tc>, window_params = [{transform_indices = @transform_0, window_bounds = array<i64: 2, 2048, 144>}, {transform_indices = @transform_1, window_bounds = array<i64: 2, 2048, 144>}, {transform_indices = @transform_2, window_bounds = array<i64: 2048, 8>}, {transform_indices = @transform_3, window_bounds = array<i64: 2048, 8>}, {transform_indices = @transform_4, window_bounds = array<i64: 2048, 128>}, {transform_indices = @transform_5, window_bounds = array<i64: 2048, 128>}, {pipeline_mode = #tpu.pipeline_mode<synchronous>, transform_indices = @transform_6, window_bounds = array<i64: 128, 160>}, {pipeline_mode = #tpu.pipeline_mode<synchronous>, transform_indices = @transform_7, window_bounds = array<i64: 128, 160>}, {pipeline_mode = #tpu.pipeline_mode<synchronous>, transform_indices = @transform_8, window_bounds = array<i64: 384, 128>}, {pipeline_mode = #tpu.pipeline_mode<synchronous>, transform_indices = @transform_9, window_bounds = array<i64: 8, 128>}, {pipeline_mode = #tpu.pipeline_mode<synchronous>, transform_indices = @transform_10, window_bounds = array<i64: 8, 160>}, {pipeline_mode = #tpu.pipeline_mode<synchronous>, transform_indices = @transform_11, window_bounds = array<i64: 32, 32>}, {transform_indices = @transform_12, window_bounds = array<i64: 2048, 32>}]} {
    %get3A = arith.constant 0 : index
    %get3A_0 = arith.constant 0 : index
    %get3A_1 = vector.load %arg3[%get3A, %get3A_0] : memref<2048x8xf32, #tpu.memory_space<vmem>>, vector<2048x1xf32>
    %add3A = arith.constant 1.000000e+00 : f32
    %add3A_2 = vector.broadcast %add3A : f32 to vector<2048x1xf32>
    %add3A_3 = arith.addf %get3A_1, %add3A_2 : vector<2048x1xf32>
    %rsqrt3A = math.rsqrt %add3A_3 : vector<2048x1xf32>
    %get3A_4 = arith.constant 0 : index
    %get3A_5 = arith.constant 0 : index
    %get3A_6 = vector.load %arg4[%get3A_4, %get3A_5] : memref<2048x8xf32, #tpu.memory_space<vmem>>, vector<2048x1xf32>
    %add3A_7 = arith.constant 1.000000e+00 : f32
    %add3A_8 = vector.broadcast %add3A_7 : f32 to vector<2048x1xf32>
    %add3A_9 = arith.addf %get3A_6, %add3A_8 : vector<2048x1xf32>
    %rsqrt3A_10 = math.rsqrt %add3A_9 : vector<2048x1xf32>
    %get3A_11 = arith.constant 0 : index
    %get3A_12 = arith.constant 0 : index
    %get3A_13 = arith.constant 0 : index
    %get3A_14 = vector.load %arg1[%get3A_11, %get3A_12, %get3A_13] : memref<2x2048x144xf32, #tpu.memory_space<vmem>>, vector<1x2048x144xf32>
    %get3A_15 = vector.shape_cast %get3A_14 : vector<1x2048x144xf32> to vector<2048x144xf32>
    %get3A_16 = arith.constant 0 : index
    %get3A_17 = arith.constant 0 : index
    %get3A_18 = arith.constant 0 : index
    %get3A_19 = vector.load %arg2[%get3A_16, %get3A_17, %get3A_18] : memref<2x2048x144xf32, #tpu.memory_space<vmem>>, vector<1x2048x144xf32>
    %get3A_20 = vector.shape_cast %get3A_19 : vector<1x2048x144xf32> to vector<2048x144xf32>
    %add3A_21 = arith.addf %get3A_15, %get3A_20 : vector<2048x144xf32>
    %mul3A = vector.broadcast %rsqrt3A : vector<2048x1xf32> to vector<2048x144xf32>
    %mul3A_22 = arith.mulf %mul3A, %add3A_21 : vector<2048x144xf32>
    %get3A_23 = arith.constant 1 : index
    %get3A_24 = arith.constant 0 : index
    %get3A_25 = arith.constant 0 : index
    %get3A_26 = vector.load %arg1[%get3A_23, %get3A_24, %get3A_25] : memref<2x2048x144xf32, #tpu.memory_space<vmem>>, vector<1x2048x144xf32>
    %get3A_27 = vector.shape_cast %get3A_26 : vector<1x2048x144xf32> to vector<2048x144xf32>
    %get3A_28 = arith.constant 1 : index
    %get3A_29 = arith.constant 0 : index
    %get3A_30 = arith.constant 0 : index
    %get3A_31 = vector.load %arg2[%get3A_28, %get3A_29, %get3A_30] : memref<2x2048x144xf32, #tpu.memory_space<vmem>>, vector<1x2048x144xf32>
    %get3A_32 = vector.shape_cast %get3A_31 : vector<1x2048x144xf32> to vector<2048x144xf32>
    %add3A_33 = arith.addf %get3A_27, %get3A_32 : vector<2048x144xf32>
    %mul3A_34 = vector.broadcast %rsqrt3A : vector<2048x1xf32> to vector<2048x144xf32>
    %mul3A_35 = arith.mulf %mul3A_34, %add3A_33 : vector<2048x144xf32>
    %slice3A = vector.extract_strided_slice %mul3A_22 {offsets = [0, 0], sizes = [2048, 32], strides = [1, 1]} : vector<2048x144xf32> to vector<2048x32xf32>
    %slice3A_36 = vector.extract_strided_slice %mul3A_22 {offsets = [0, 32], sizes = [2048, 112], strides = [1, 1]} : vector<2048x144xf32> to vector<2048x112xf32>
    %slice3A_37 = vector.extract_strided_slice %mul3A_35 {offsets = [0, 0], sizes = [2048, 16], strides = [1, 1]} : vector<2048x144xf32> to vector<2048x16xf32>
    %concatenate3A = tpu.concatenate %slice3A_36, %slice3A_37 in 1 : vector<2048x112xf32>, vector<2048x16xf32> -> vector<2048x128xf32>
    %slice3A_38 = vector.extract_strided_slice %mul3A_35 {offsets = [0, 16], sizes = [2048, 128], strides = [1, 1]} : vector<2048x144xf32> to vector<2048x128xf32>
    %mul3A_39 = vector.broadcast %rsqrt3A : vector<2048x1xf32> to vector<2048x128xf32>
    %mul3A_40 = arith.mulf %mul3A_39, %slice3A_38 : vector<2048x128xf32>
    %concatenate3A_41 = tpu.concatenate %slice3A, %slice3A, %slice3A, %slice3A, %slice3A in 1 : vector<2048x32xf32>, vector<2048x32xf32>, vector<2048x32xf32>, vector<2048x32xf32>, vector<2048x32xf32> -> vector<2048x160xf32>
    %get3A_42 = arith.constant 0 : index
    %get3A_43 = arith.constant 0 : index
    %get3A_44 = vector.load %arg7[%get3A_42, %get3A_43] : memref<128x160xf32, #tpu.memory_space<vmem>>, vector<128x160xf32>
    %dot_general3A = arith.constant dense<0.000000e+00> : vector<2048x160xf32>
    %dot_general3A_45 = tpu.matmul %concatenate3A, %get3A_44, %dot_general3A {dimension_numbers = #tpu.dot_dimension_numbers<[1], [0], [0], [1], [0, 0, 1, 1], [], []>, transpose_lhs_hint = false} : vector<2048x128xf32>, vector<128x160xf32>, vector<2048x160xf32> -> vector<2048x160xf32>
    %add3A_46 = arith.addf %concatenate3A_41, %dot_general3A_45 : vector<2048x160xf32>
    %get3A_47 = arith.constant 0 : index
    %get3A_48 = arith.constant 0 : index
    %get3A_49 = vector.load %arg11[%get3A_47, %get3A_48] : memref<8x160xf32, #tpu.memory_space<vmem>>, vector<1x160xf32>
    %add3A_50 = vector.broadcast %get3A_49 : vector<1x160xf32> to vector<2048x160xf32>
    %add3A_51 = arith.addf %add3A_46, %add3A_50 : vector<2048x160xf32>
    %get3A_52 = arith.constant 0 : index
    %get3A_53 = arith.constant 0 : index
    %get3A_54 = vector.load %arg8[%get3A_52, %get3A_53] : memref<128x160xf32, #tpu.memory_space<vmem>>, vector<128x160xf32>
    %dot_general3A_55 = arith.constant dense<0.000000e+00> : vector<2048x160xf32>
    %dot_general3A_56 = tpu.matmul %mul3A_40, %get3A_54, %dot_general3A_55 {dimension_numbers = #tpu.dot_dimension_numbers<[1], [0], [0], [1], [0, 0, 1, 1], [], []>, transpose_lhs_hint = false} : vector<2048x128xf32>, vector<128x160xf32>, vector<2048x160xf32> -> vector<2048x160xf32>
    %add3A_57 = arith.constant 9.99999993E-9 : f32
    %add3A_58 = vector.broadcast %add3A_57 : f32 to vector<2048x160xf32>
    %add3A_59 = arith.addf %dot_general3A_56, %add3A_58 : vector<2048x160xf32>
    %sqrt3A = math.sqrt %add3A_59 : vector<2048x160xf32>
    %div3A = arith.divf %add3A_51, %sqrt3A : vector<2048x160xf32>
    %mul3A_60 = arith.constant 0.707106769 : f32
    %mul3A_61 = vector.broadcast %mul3A_60 : f32 to vector<2048x160xf32>
    %mul3A_62 = arith.mulf %div3A, %mul3A_61 : vector<2048x160xf32>
    %erf3A = math.erf %mul3A_62 : vector<2048x160xf32>
    %add3A_63 = arith.constant 1.000000e+00 : f32
    %add3A_64 = vector.broadcast %add3A_63 : f32 to vector<2048x160xf32>
    %add3A_65 = arith.addf %add3A_64, %erf3A : vector<2048x160xf32>
    %mul3A_66 = arith.constant 5.000000e-01 : f32
    %mul3A_67 = vector.broadcast %mul3A_66 : f32 to vector<2048x160xf32>
    %mul3A_68 = arith.mulf %mul3A_67, %add3A_65 : vector<2048x160xf32>
    %mul3A_69 = arith.constant -5.000000e-01 : f32
    %mul3A_70 = vector.broadcast %mul3A_69 : f32 to vector<2048x160xf32>
    %mul3A_71 = arith.mulf %mul3A_70, %div3A : vector<2048x160xf32>
    %mul3A_72 = arith.mulf %mul3A_71, %div3A : vector<2048x160xf32>
    %exp3A = math.exp %mul3A_72 : vector<2048x160xf32>
    %mul3A_73 = arith.constant 0.398942292 : f32
    %mul3A_74 = vector.broadcast %mul3A_73 : f32 to vector<2048x160xf32>
    %mul3A_75 = arith.mulf %exp3A, %mul3A_74 : vector<2048x160xf32>
    %mul3A_76 = arith.mulf %add3A_51, %mul3A_68 : vector<2048x160xf32>
    %mul3A_77 = arith.mulf %sqrt3A, %mul3A_75 : vector<2048x160xf32>
    %add3A_78 = arith.addf %mul3A_76, %mul3A_77 : vector<2048x160xf32>
    %get3A_79 = arith.constant 0 : index
    %get3A_80 = arith.constant 0 : index
    %get3A_81 = vector.load %arg5[%get3A_79, %get3A_80] : memref<2048x128xf32, #tpu.memory_space<vmem>>, vector<2048x128xf32>
    %get3A_82 = arith.constant 0 : index
    %get3A_83 = arith.constant 0 : index
    %get3A_84 = vector.load %arg6[%get3A_82, %get3A_83] : memref<2048x128xf32, #tpu.memory_space<vmem>>, vector<2048x128xf32>
    %mul3A_85 = arith.mulf %get3A_84, %get3A_81 : vector<2048x128xf32>
    %sub3A = arith.subf %get3A_81, %mul3A_85 : vector<2048x128xf32>
    %mul3A_86 = arith.mulf %sub3A, %sub3A : vector<2048x128xf32>
    %sub3A_87 = arith.constant 1.000000e+00 : f32
    %sub3A_88 = vector.broadcast %sub3A_87 : f32 to vector<2048x128xf32>
    %sub3A_89 = arith.subf %sub3A_88, %get3A_84 : vector<2048x128xf32>
    %concatenate3A_90 = tpu.concatenate %mul3A_86, %sub3A, %sub3A_89 in 1 : vector<2048x128xf32>, vector<2048x128xf32>, vector<2048x128xf32> -> vector<2048x384xf32>
    %get3A_91 = arith.constant 0 : index
    %get3A_92 = arith.constant 0 : index
    %get3A_93 = vector.load %arg9[%get3A_91, %get3A_92] : memref<384x128xf32, #tpu.memory_space<vmem>>, vector<384x128xf32>
    %dot_general3A_94 = arith.constant dense<0.000000e+00> : vector<2048x128xf32>
    %dot_general3A_95 = tpu.matmul %concatenate3A_90, %get3A_93, %dot_general3A_94 {dimension_numbers = #tpu.dot_dimension_numbers<[1], [0], [0], [1], [0, 0, 1, 1], [], []>, transpose_lhs_hint = false} : vector<2048x384xf32>, vector<384x128xf32>, vector<2048x128xf32> -> vector<2048x128xf32>
    %get3A_96 = arith.constant 0 : index
    %get3A_97 = arith.constant 0 : index
    %get3A_98 = vector.load %arg10[%get3A_96, %get3A_97] : memref<8x128xf32, #tpu.memory_space<vmem>>, vector<1x128xf32>
    %add3A_99 = vector.broadcast %get3A_98 : vector<1x128xf32> to vector<2048x128xf32>
    %add3A_100 = arith.addf %dot_general3A_95, %add3A_99 : vector<2048x128xf32>
    %reduce_max3A = arith.constant dense<0xFF800000> : vector<2048xf32>
    %reduce_max3A_101 = vector.multi_reduction <maximumf>, %add3A_100, %reduce_max3A [1] : vector<2048x128xf32> to vector<2048xf32>
    %broadcast_in_dim3A = vector.shape_cast %reduce_max3A_101 : vector<2048xf32> to vector<2048x1xf32>
    %sub3A_102 = vector.broadcast %broadcast_in_dim3A : vector<2048x1xf32> to vector<2048x128xf32>
    %sub3A_103 = arith.subf %add3A_100, %sub3A_102 : vector<2048x128xf32>
    %exp3A_104 = math.exp %sub3A_103 : vector<2048x128xf32>
    %reduce_sum3A = arith.constant dense<0.000000e+00> : vector<2048xf32>
    %reduce_sum3A_105 = vector.multi_reduction <add>, %exp3A_104, %reduce_sum3A [1] : vector<2048x128xf32> to vector<2048xf32>
    %broadcast_in_dim3A_106 = vector.shape_cast %reduce_sum3A_105 : vector<2048xf32> to vector<2048x1xf32>
    %broadcast_in_dim3A_107 = arith.constant 0.000000e+00 : f32
    %broadcast_in_dim3A_108 = vector.broadcast %broadcast_in_dim3A_107 : f32 to vector<2048x32xf32>
    %slice3A_109 = vector.extract_strided_slice %exp3A_104 {offsets = [0, 0], sizes = [2048, 1], strides = [1, 1]} : vector<2048x128xf32> to vector<2048x1xf32>
    %slice3A_110 = vector.extract_strided_slice %add3A_78 {offsets = [0, 0], sizes = [2048, 32], strides = [1, 1]} : vector<2048x160xf32> to vector<2048x32xf32>
    %mul3A_111 = vector.broadcast %slice3A_109 : vector<2048x1xf32> to vector<2048x32xf32>
    %mul3A_112 = arith.mulf %mul3A_111, %slice3A_110 : vector<2048x32xf32>
    %add3A_113 = arith.addf %broadcast_in_dim3A_108, %mul3A_112 : vector<2048x32xf32>
    %slice3A_114 = vector.extract_strided_slice %exp3A_104 {offsets = [0, 1], sizes = [2048, 1], strides = [1, 1]} : vector<2048x128xf32> to vector<2048x1xf32>
    %slice3A_115 = vector.extract_strided_slice %add3A_78 {offsets = [0, 32], sizes = [2048, 32], strides = [1, 1]} : vector<2048x160xf32> to vector<2048x32xf32>
    %mul3A_116 = vector.broadcast %slice3A_114 : vector<2048x1xf32> to vector<2048x32xf32>
    %mul3A_117 = arith.mulf %mul3A_116, %slice3A_115 : vector<2048x32xf32>
    %add3A_118 = arith.addf %add3A_113, %mul3A_117 : vector<2048x32xf32>
    %slice3A_119 = vector.extract_strided_slice %exp3A_104 {offsets = [0, 2], sizes = [2048, 1], strides = [1, 1]} : vector<2048x128xf32> to vector<2048x1xf32>
    %slice3A_120 = vector.extract_strided_slice %add3A_78 {offsets = [0, 64], sizes = [2048, 32], strides = [1, 1]} : vector<2048x160xf32> to vector<2048x32xf32>
    %mul3A_121 = vector.broadcast %slice3A_119 : vector<2048x1xf32> to vector<2048x32xf32>
    %mul3A_122 = arith.mulf %mul3A_121, %slice3A_120 : vector<2048x32xf32>
    %add3A_123 = arith.addf %add3A_118, %mul3A_122 : vector<2048x32xf32>
    %slice3A_124 = vector.extract_strided_slice %exp3A_104 {offsets = [0, 3], sizes = [2048, 1], strides = [1, 1]} : vector<2048x128xf32> to vector<2048x1xf32>
    %slice3A_125 = vector.extract_strided_slice %add3A_78 {offsets = [0, 96], sizes = [2048, 32], strides = [1, 1]} : vector<2048x160xf32> to vector<2048x32xf32>
    %mul3A_126 = vector.broadcast %slice3A_124 : vector<2048x1xf32> to vector<2048x32xf32>
    %mul3A_127 = arith.mulf %mul3A_126, %slice3A_125 : vector<2048x32xf32>
    %add3A_128 = arith.addf %add3A_123, %mul3A_127 : vector<2048x32xf32>
    %slice3A_129 = vector.extract_strided_slice %exp3A_104 {offsets = [0, 4], sizes = [2048, 1], strides = [1, 1]} : vector<2048x128xf32> to vector<2048x1xf32>
    %slice3A_130 = vector.extract_strided_slice %add3A_78 {offsets = [0, 128], sizes = [2048, 32], strides = [1, 1]} : vector<2048x160xf32> to vector<2048x32xf32>
    %mul3A_131 = vector.broadcast %slice3A_129 : vector<2048x1xf32> to vector<2048x32xf32>
    %mul3A_132 = arith.mulf %mul3A_131, %slice3A_130 : vector<2048x32xf32>
    %add3A_133 = arith.addf %add3A_128, %mul3A_132 : vector<2048x32xf32>
    %div3A_134 = vector.broadcast %broadcast_in_dim3A_106 : vector<2048x1xf32> to vector<2048x32xf32>
    %div3A_135 = arith.divf %add3A_133, %div3A_134 : vector<2048x32xf32>
    %get3A_136 = arith.constant 0 : index
    %get3A_137 = arith.constant 0 : index
    %get3A_138 = vector.load %arg12[%get3A_136, %get3A_137] : memref<32x32xf32, #tpu.memory_space<vmem>>, vector<32x32xf32>
    %dot_general3A_139 = arith.constant dense<0.000000e+00> : vector<2048x32xf32>
    %dot_general3A_140 = tpu.matmul %div3A_135, %get3A_138, %dot_general3A_139 {dimension_numbers = #tpu.dot_dimension_numbers<[1], [0], [0], [1], [0, 0, 1, 1], [], []>, transpose_lhs_hint = false} : vector<2048x32xf32>, vector<32x32xf32>, vector<2048x32xf32> -> vector<2048x32xf32>
    %mul3A_141 = vector.broadcast %rsqrt3A_10 : vector<2048x1xf32> to vector<2048x32xf32>
    %mul3A_142 = arith.mulf %mul3A_141, %dot_general3A_140 : vector<2048x32xf32>
    %mul3A_143 = arith.constant 2048 : i32
    %mul3A_144 = arith.muli %arg0, %mul3A_143 : i32
    %iota3A = tpu.iota {dimensions = array<i32: 0>} : vector<2048x1xi32>
    %add3A_145 = vector.broadcast %mul3A_144 : i32 to vector<2048x1xi32>
    %add3A_146 = arith.addi %add3A_145, %iota3A : vector<2048x1xi32>
    %lt3A = arith.constant 10000 : i32
    %lt3A_147 = vector.broadcast %lt3A : i32 to vector<2048x1xi32>
    %lt3A_148 = arith.cmpi slt, %add3A_146, %lt3A_147 : vector<2048x1xi32>
    %jit3A = arith.constant 0.000000e+00 : f32
    %broadcast_in_dim3A_149 = vector.shape_cast %lt3A_148 : vector<2048x1xi1> to vector<2048x1xi1>
    %broadcast_in_dim3A_150 = vector.broadcast %broadcast_in_dim3A_149 : vector<2048x1xi1> to vector<2048x32xi1>
    %broadcast_in_dim3A_151 = vector.broadcast %jit3A : f32 to vector<2048x32xf32>
    %select_n3A = arith.select %broadcast_in_dim3A_150, %mul3A_142, %broadcast_in_dim3A_151 : vector<2048x32xi1>, vector<2048x32xf32>
    %swap3A = arith.constant 0 : index
    %swap3A_152 = arith.constant 0 : index
    %swap3A_153 = vector.load %arg13[%swap3A, %swap3A_152] : memref<2048x32xf32, #tpu.memory_space<vmem>>, vector<2048x32xf32>
    tpu.vector_store %arg13[%swap3A, %swap3A_152], %select_n3A {strides = array<i32>} : memref<2048x32xf32, #tpu.memory_space<vmem>>, vector<2048x32xf32>,
    return
  }
  func.func @transform_0(%arg0: i32) -> (i32, i32, i32) {
    %c0_i32 = arith.constant 0 : i32
    %c0_i32_0 = arith.constant 0 : i32
    %c0_i32_1 = arith.constant 0 : i32
    return %c0_i32, %arg0, %c0_i32_0 : i32, i32, i32
  }
  func.func @transform_1(%arg0: i32) -> (i32, i32, i32) {
    %c0_i32 = arith.constant 0 : i32
    %c0_i32_0 = arith.constant 0 : i32
    %c0_i32_1 = arith.constant 0 : i32
    return %c0_i32, %arg0, %c0_i32_0 : i32, i32, i32
  }
  func.func @transform_2(%arg0: i32) -> (i32, i32) {
    %c0_i32 = arith.constant 0 : i32
    %c0_i32_0 = arith.constant 0 : i32
    return %arg0, %c0_i32 : i32, i32
  }
  func.func @transform_3(%arg0: i32) -> (i32, i32) {
    %add3A = arith.constant 5 : i32
    %add3A_0 = arith.addi %add3A, %arg0 : i32
    %c0_i32 = arith.constant 0 : i32
    %c0_i32_1 = arith.constant 0 : i32
    return %add3A_0, %c0_i32 : i32, i32
  }
  func.func @transform_4(%arg0: i32) -> (i32, i32) {
    %c0_i32 = arith.constant 0 : i32
    %c0_i32_0 = arith.constant 0 : i32
    return %arg0, %c0_i32 : i32, i32
  }
  func.func @transform_5(%arg0: i32) -> (i32, i32) {
    %c0_i32 = arith.constant 0 : i32
    %c0_i32_0 = arith.constant 0 : i32
    return %arg0, %c0_i32 : i32, i32
  }
  func.func @transform_6(%arg0: i32) -> (i32, i32) {
    %c0_i32 = arith.constant 0 : i32
    %c0_i32_0 = arith.constant 0 : i32
    %c0_i32_1 = arith.constant 0 : i32
    return %c0_i32, %c0_i32_0 : i32, i32
  }
  func.func @transform_7(%arg0: i32) -> (i32, i32) {
    %c0_i32 = arith.constant 0 : i32
    %c0_i32_0 = arith.constant 0 : i32
    %c0_i32_1 = arith.constant 0 : i32
    return %c0_i32, %c0_i32_0 : i32, i32
  }
  func.func @transform_8(%arg0: i32) -> (i32, i32) {
    %c0_i32 = arith.constant 0 : i32
    %c0_i32_0 = arith.constant 0 : i32
    %c0_i32_1 = arith.constant 0 : i32
    return %c0_i32, %c0_i32_0 : i32, i32
  }
  func.func @transform_9(%arg0: i32) -> (i32, i32) {
    %c0_i32 = arith.constant 0 : i32
    %c0_i32_0 = arith.constant 0 : i32
    %c0_i32_1 = arith.constant 0 : i32
    return %c0_i32, %c0_i32_0 : i32, i32
  }
  func.func @transform_10(%arg0: i32) -> (i32, i32) {
    %c0_i32 = arith.constant 0 : i32
    %c0_i32_0 = arith.constant 0 : i32
    %c0_i32_1 = arith.constant 0 : i32
    return %c0_i32, %c0_i32_0 : i32, i32
  }
  func.func @transform_11(%arg0: i32) -> (i32, i32) {
    %c0_i32 = arith.constant 0 : i32
    %c0_i32_0 = arith.constant 0 : i32
    %c0_i32_1 = arith.constant 0 : i32
    return %c0_i32, %c0_i32_0 : i32, i32
  }
  func.func @transform_12(%arg0: i32) -> (i32, i32) {
    %c0_i32 = arith.constant 0 : i32
    %c0_i32_0 = arith.constant 0 : i32
    return %arg0, %c0_i32 : i32, i32
  }
}

module attributes {stable_mosaic.version = 14 : i64} {
  func.func @_final_body(%arg0: i32, %arg1: memref<2x2048x32xf32, #tpu.memory_space<vmem>>, %arg2: memref<2048x32xf32, #tpu.memory_space<vmem>>, %arg3: memref<2048x8xf32, #tpu.memory_space<vmem>>, %arg4: memref<8x32xf32, #tpu.memory_space<vmem>>, %arg5: memref<2048x32xf32, #tpu.memory_space<vmem>>) attributes {dimension_semantics = [#tpu.dimension_semantics<arbitrary>], iteration_bounds = array<i64: 5>, scalar_prefetch = 0 : i64, scratch_operands = 0 : i64, tpu.core_type = #tpu.core_type<tc>, window_params = [{transform_indices = @transform_0, window_bounds = array<i64: 2, 2048, 32>}, {transform_indices = @transform_1, window_bounds = array<i64: 2048, 32>}, {transform_indices = @transform_2, window_bounds = array<i64: 2048, 8>}, {pipeline_mode = #tpu.pipeline_mode<synchronous>, transform_indices = @transform_3, window_bounds = array<i64: 8, 32>}, {transform_indices = @transform_4, window_bounds = array<i64: 2048, 32>}]} {
    %get3A = arith.constant 0 : index
    %get3A_0 = arith.constant 0 : index
    %get3A_1 = vector.load %arg3[%get3A, %get3A_0] : memref<2048x8xf32, #tpu.memory_space<vmem>>, vector<2048x1xf32>
    %add3A = arith.constant 1.000000e+00 : f32
    %add3A_2 = vector.broadcast %add3A : f32 to vector<2048x1xf32>
    %add3A_3 = arith.addf %get3A_1, %add3A_2 : vector<2048x1xf32>
    %rsqrt3A = math.rsqrt %add3A_3 : vector<2048x1xf32>
    %get3A_4 = arith.constant 0 : index
    %get3A_5 = arith.constant 0 : index
    %get3A_6 = arith.constant 0 : index
    %get3A_7 = vector.load %arg1[%get3A_4, %get3A_5, %get3A_6] : memref<2x2048x32xf32, #tpu.memory_space<vmem>>, vector<1x2048x32xf32>
    %get3A_8 = vector.shape_cast %get3A_7 : vector<1x2048x32xf32> to vector<2048x32xf32>
    %get3A_9 = arith.constant 1 : index
    %get3A_10 = arith.constant 0 : index
    %get3A_11 = arith.constant 0 : index
    %get3A_12 = vector.load %arg1[%get3A_9, %get3A_10, %get3A_11] : memref<2x2048x32xf32, #tpu.memory_space<vmem>>, vector<1x2048x32xf32>
    %get3A_13 = vector.shape_cast %get3A_12 : vector<1x2048x32xf32> to vector<2048x32xf32>
    %add3A_14 = arith.addf %get3A_8, %get3A_13 : vector<2048x32xf32>
    %get3A_15 = arith.constant 0 : index
    %get3A_16 = arith.constant 0 : index
    %get3A_17 = vector.load %arg2[%get3A_15, %get3A_16] : memref<2048x32xf32, #tpu.memory_space<vmem>>, vector<2048x32xf32>
    %add3A_18 = arith.addf %add3A_14, %get3A_17 : vector<2048x32xf32>
    %mul3A = vector.broadcast %rsqrt3A : vector<2048x1xf32> to vector<2048x32xf32>
    %mul3A_19 = arith.mulf %mul3A, %add3A_18 : vector<2048x32xf32>
    %get3A_20 = arith.constant 0 : index
    %get3A_21 = arith.constant 0 : index
    %get3A_22 = vector.load %arg4[%get3A_20, %get3A_21] : memref<8x32xf32, #tpu.memory_space<vmem>>, vector<1x32xf32>
    %add3A_23 = vector.broadcast %get3A_22 : vector<1x32xf32> to vector<2048x32xf32>
    %add3A_24 = arith.addf %mul3A_19, %add3A_23 : vector<2048x32xf32>
    %swap3A = arith.constant 0 : index
    %swap3A_25 = arith.constant 0 : index
    %swap3A_26 = vector.load %arg5[%swap3A, %swap3A_25] : memref<2048x32xf32, #tpu.memory_space<vmem>>, vector<2048x32xf32>
    tpu.vector_store %arg5[%swap3A, %swap3A_25], %add3A_24 {strides = array<i32>} : memref<2048x32xf32, #tpu.memory_space<vmem>>, vector<2048x32xf32>,
    return
  }
  func.func @transform_0(%arg0: i32) -> (i32, i32, i32) {
    %c0_i32 = arith.constant 0 : i32
    %c0_i32_0 = arith.constant 0 : i32
    %c0_i32_1 = arith.constant 0 : i32
    return %c0_i32, %arg0, %c0_i32_0 : i32, i32, i32
  }
  func.func @transform_1(%arg0: i32) -> (i32, i32) {
    %c0_i32 = arith.constant 0 : i32
    %c0_i32_0 = arith.constant 0 : i32
    return %arg0, %c0_i32 : i32, i32
  }
  func.func @transform_2(%arg0: i32) -> (i32, i32) {
    %c0_i32 = arith.constant 0 : i32
    %c0_i32_0 = arith.constant 0 : i32
    return %arg0, %c0_i32 : i32, i32
  }
  func.func @transform_3(%arg0: i32) -> (i32, i32) {
    %c0_i32 = arith.constant 0 : i32
    %c0_i32_0 = arith.constant 0 : i32
    %c0_i32_1 = arith.constant 0 : i32
    return %c0_i32, %c0_i32_0 : i32, i32
  }
  func.func @transform_4(%arg0: i32) -> (i32, i32) {
    %c0_i32 = arith.constant 0 : i32
    %c0_i32_0 = arith.constant 0 : i32
    return %arg0, %c0_i32 : i32, i32
  }
}

module attributes {stable_mosaic.version = 14 : i64} {
  func.func @_decoder_body(%arg0: i32, %arg1: i32, %arg2: memref<1024x16xf32, #tpu.memory_space<vmem>>, %arg3: memref<2048x16xf32, #tpu.memory_space<vmem>>, %arg4: memref<1024x2048xf32, #tpu.memory_space<vmem>>) attributes {dimension_semantics = [#tpu.dimension_semantics<arbitrary>, #tpu.dimension_semantics<arbitrary>], iteration_bounds = array<i64: 10, 5>, scalar_prefetch = 0 : i64, scratch_operands = 0 : i64, tpu.core_type = #tpu.core_type<tc>, window_params = [{transform_indices = @transform_0, window_bounds = array<i64: 1024, 16>}, {transform_indices = @transform_1, window_bounds = array<i64: 2048, 16>}, {transform_indices = @transform_2, window_bounds = array<i64: 1024, 2048>}]} {
    %get3A = arith.constant 0 : index
    %get3A_0 = arith.constant 0 : index
    %get3A_1 = vector.load %arg2[%get3A, %get3A_0] : memref<1024x16xf32, #tpu.memory_space<vmem>>, vector<1024x16xf32>
    %get3A_2 = arith.constant 0 : index
    %get3A_3 = arith.constant 0 : index
    %get3A_4 = vector.load %arg3[%get3A_2, %get3A_3] : memref<2048x16xf32, #tpu.memory_space<vmem>>, vector<2048x16xf32>
    %dot_general3A = arith.constant dense<0.000000e+00> : vector<1024x2048xf32>
    %dot_general3A_5 = tpu.matmul %get3A_1, %get3A_4, %dot_general3A {dimension_numbers = #tpu.dot_dimension_numbers<[1], [1], [0], [0], [0, 0, 1, 0], [], []>, transpose_lhs_hint = false} : vector<1024x16xf32>, vector<2048x16xf32>, vector<1024x2048xf32> -> vector<1024x2048xf32>
    %logistic3A = arith.negf %dot_general3A_5 : vector<1024x2048xf32>
    %logistic3A_6 = math.exp %logistic3A : vector<1024x2048xf32>
    %logistic3A_7 = arith.constant 1.000000e+00 : f32
    %logistic3A_8 = vector.broadcast %logistic3A_7 : f32 to vector<1024x2048xf32>
    %logistic3A_9 = arith.addf %logistic3A_8, %logistic3A_6 : vector<1024x2048xf32>
    %logistic3A_10 = arith.divf %logistic3A_8, %logistic3A_9 : vector<1024x2048xf32>
    %swap3A = arith.constant 0 : index
    %swap3A_11 = arith.constant 0 : index
    %swap3A_12 = vector.load %arg4[%swap3A, %swap3A_11] : memref<1024x2048xf32, #tpu.memory_space<vmem>>, vector<1024x2048xf32>
    tpu.vector_store %arg4[%swap3A, %swap3A_11], %logistic3A_10 {strides = array<i32>} : memref<1024x2048xf32, #tpu.memory_space<vmem>>, vector<1024x2048xf32>,
    return
  }
  func.func @transform_0(%arg0: i32, %arg1: i32) -> (i32, i32) {
    %c0_i32 = arith.constant 0 : i32
    %c0_i32_0 = arith.constant 0 : i32
    return %arg0, %c0_i32 : i32, i32
  }
  func.func @transform_1(%arg0: i32, %arg1: i32) -> (i32, i32) {
    %c0_i32 = arith.constant 0 : i32
    %c0_i32_0 = arith.constant 0 : i32
    return %arg1, %c0_i32 : i32, i32
  }
  func.func @transform_2(%arg0: i32, %arg1: i32) -> (i32, i32) {
    %c0_i32 = arith.constant 0 : i32
    return %arg0, %arg1 : i32, i32
  }
}

</mosaic_0001>

<sc_bundles>
// kernel: kernel.12.cloned.1.call-start
scs
__scs_entry_jumppad:
0x0: {  	(pc) =	sbr.rel $0x88, $3  }
0x1: {  	(tag) =	ssettag $0x0;
	lr =	simm.s32 $0x1  }
0x2: {  	[smem:$0x3F95] =	sst lr;
	_ =	strace $0xD0000000  }
0x3: {  	_ = 	snop  }
0x4: {  	_ = 	snop  }
0x5: {  	_ = 	snop  }
0x6: {  	_ = 	snop  }
0x7: {  	_ = 	snop  }
__scs_overlays_trampoline_lowered:
0x8: {  	[smem:$0x3FA4] =	sst s0  }
0x9: {  	[smem:$0x3FA5] =	sst s1  }
0xa: {  	[smem:$0x3FA6] =	sst s2  }
0xb: {  	[smem:$0x3FA7] =	sst s3  }
0xc: {  	[smem:$0x3FA8] =	sst s4  }
0xd: {  	[smem:$0x3FA9] =	sst s5  }
0xe: {  	[smem:$0x3FAA] =	sst s6  }
0xf: {  	[smem:$0x3FAB] =	sst s7  }
0x10: {  	[smem:$0x3FAC] =	sst s8  }
0x11: {  	[smem:$0x3FAD] =	sst s9;
	s0 =	simm.s32 @!p0 $0x0  }
0x12: {  	s1 =	sld [smem:$0x3F93];
	s0 =	simm.s32 @p0 $0x1  }
0x13: {  	[smem:$0x3FAE] =	sst s0;
	s0 =	simm.s32 @!p1 $0x0  }
0x14: {  	s2 =	sld [smem:$0x3F92];
	s0 =	simm.s32 @p1 $0x1  }
0x15: {  	[smem:$0x3FAF] =	sst s0;
	s0 =	simm.s32 @!p2 $0x0  }
0x16: {  	s3 =	sld [smem:$0x3FDB];
	s0 =	simm.s32 @p2 $0x1  }
0x17: {  	s4 =	simm.s32 $0x1BF5;
	[smem:$0x3FB1] =	sst s0  }
0x18: {  	s0 =	sld [smem:$0x3F94];
	_ =	swait.ge [sflag:s4], $0x0  }
0x19: {  	s7 =	sld [smem:$0x3F95]  }
0x1a: {  	s8 =	sadd.s32 $0xFFFFE003, lr  }
0x1b: {  	s9 =	sadd.s32 $0xFFFFFEF7, lr;
	s5 =	simm.s32 $0xFFFFFFFF;
	p2 =	slt.u32 s8, $0xFFFFF086  }
0x1c: {  	p1 =	slt.u32 s9, $0xF7A;
	s5 =	simm.s32 @!p2 $0x0  }
0x1d: {  	s5 =	simm.s32 @p1 $0x1;
	p0 =	seq.s32 s7, s2  }
0x1e: {  	s7 =	smul.u32 @!p0 $0xF7A, s2;
	p2 =	seq.s32 @!p0 s5, $0x0  }
0x1f: {  	s9 =	smul.u32 $0xF7A, s1;
	s8 =	simm.s32 @!p0 $0x1BF5;
	p2 =	por !p2, p0  }
0x20: {  	[sflag:s8] =	ssyncset.s32 @!p0 $0xFFFFF086;
	s6 =	sadd.s32 @!p0 s3, s7;
	s7 =	simm.s32 @!p0 $0x108  }
0x21: {  	s3 =	sadd.s32 s3, s9;
	s6 =	sadd.s32 @!p0 $0x88, s6;
	s7 =	simm.s32 @p2 $0x1082  }
0x22: {  	[simem:s7], [sflag:s8] =	dma.local @!p0 [hbm:s6], $0xF7A  }
0x23: {  	s9 =	sor.u32 $0xD0000000, s2;
	s6 =	simm.s32 $0x108;
	_ =	swait.ge @!p0 [sflag:s8], $0x0  }
0x24: {  	s3 =	sadd.s32 $0x88, s3;
	s6 =	simm.s32 @!p1 $0x1082;
	[sflag:s4] =	ssyncset.s32 $0xFFFFF086  }
0x25: {  	[simem:s6], [sflag:s4] =	dma.local [hbm:s3], $0xF7A  }
0x26: {  	[smem:$0x3F95] =	sst s1;
	(tag) =	ssettag s2;
	_ =	strace s9  }
0x27: {  	s1 =	sld [smem:$0x3FA5]  }
0x28: {  	s2 =	sld [smem:$0x3FA6]  }
0x29: {  	s4 =	sld [smem:$0x3FA8]  }
0x2a: {  	p0 =	seq.s32 s5, $0x0;
	s5 =	sld [smem:$0x3FA9]  }
0x2b: {  	s6 =	sld [smem:$0x3FAA]  }
0x2c: {  	s7 =	sld [smem:$0x3FAB]  }
0x2d: {  	s3 =	simm.s32 $0x108;
	s8 =	sld [smem:$0x3FAC]  }
0x2e: {  	s3 =	simm.s32 @!p0 $0x1082;
	s9 =	sld [smem:$0x3FAD]  }
0x2f: {  	lr =	sadd.s32 s0, s3;
	s0 =	sld [smem:$0x3FA4]  }
0x30: {  	s3 =	sld [smem:$0x3FA7]  }
0x31: {  	[smem:$0x3FB0] =	sst s10  }
0x32: {  	s10 =	sld [smem:$0x3FAE];
	_ =	sdelay $0x3  }
0x33: {  	p0 =	seq.s32 s10, $0x1;
	s10 =	sld [smem:$0x3FB0];
	_ =	sdelay $0x3  }
0x34: {  	[smem:$0x3FB0] =	sst s10  }
0x35: {  	s10 =	sld [smem:$0x3FAF];
	_ =	sdelay $0x3  }
0x36: {  	p1 =	seq.s32 s10, $0x1;
	s10 =	sld [smem:$0x3FB0];
	_ =	sdelay $0x3  }
0x37: {  	[smem:$0x3FB0] =	sst s10  }
0x38: {  	s10 =	sld [smem:$0x3FB1]  }
0x39: {  	_ = 	snop;
	(pc) =	sbr.ind lr, $3  }
0x3a: {  	_ = 	snop  }
0x3b: {  	_ = 	snop  }
0x3c: {  	p2 =	seq.s32 s10, $0x1;
	s10 =	sld [smem:$0x3FB0]  }
0x3d: {  	_ =	shalt  }
0x3e: {  	_ =	shalt  }
0x3f: {  	_ =	shalt  }
0x40: {  	_ =	shalt  }
0x41: {  	_ =	shalt  }
0x42: {  	_ =	shalt  }
0x43: {  	_ =	shalt  }
0x44: {  	_ =	shalt  }
0x45: {  	_ =	shalt  }
0x46: {  	_ =	shalt  }
0x47: {  	_ =	shalt  }
0x48: {  	_ =	shalt  }
0x49: {  	_ =	shalt  }
0x4a: {  	_ =	shalt  }
0x4b: {  	_ =	shalt  }
0x4c: {  	_ =	shalt  }
0x4d: {  	_ =	shalt  }
0x4e: {  	_ =	shalt  }
0x4f: {  	_ =	shalt  }
0x50: {  	_ =	shalt  }
0x51: {  	_ =	shalt  }
0x52: {  	_ =	shalt  }
0x53: {  	_ =	shalt  }
0x54: {  	_ =	shalt  }
0x55: {  	_ =	shalt  }
0x56: {  	_ =	shalt  }
0x57: {  	_ =	shalt  }
0x58: {  	_ =	shalt  }
0x59: {  	_ =	shalt  }
0x5a: {  	_ =	shalt  }
0x5b: {  	_ =	shalt  }
0x5c: {  	_ =	shalt  }
0x5d: {  	_ =	shalt  }
0x5e: {  	_ =	shalt  }
0x5f: {  	_ =	shalt  }
0x60: {  	_ =	shalt  }
0x61: {  	_ =	shalt  }
0x62: {  	_ =	shalt  }
0x63: {  	_ =	shalt  }
0x64: {  	_ =	shalt  }
0x65: {  	_ =	shalt  }
0x66: {  	_ =	shalt  }
0x67: {  	_ =	shalt  }
0x68: {  	_ =	shalt  }
0x69: {  	_ =	shalt  }
0x6a: {  	_ =	shalt  }
0x6b: {  	_ =	shalt  }
0x6c: {  	_ =	shalt  }
0x6d: {  	_ =	shalt  }
0x6e: {  	_ =	shalt  }
0x6f: {  	_ =	shalt  }
0x70: {  	_ =	shalt  }
0x71: {  	_ =	shalt  }
0x72: {  	_ =	shalt  }
0x73: {  	_ =	shalt  }
0x74: {  	_ =	shalt  }
0x75: {  	_ =	shalt  }
0x76: {  	_ =	shalt  }
0x77: {  	_ =	shalt  }
0x78: {  	_ =	shalt  }
0x79: {  	_ =	shalt  }
0x7a: {  	_ =	shalt  }
0x7b: {  	_ =	shalt  }
0x7c: {  	_ =	shalt  }
0x7d: {  	_ =	shalt  }
0x7e: {  	_ =	shalt  }
0x7f: {  	_ =	shalt  }
0x80: {  	_ =	shalt  }
0x81: {  	_ =	shalt  }
0x82: {  	_ =	shalt  }
0x83: {  	_ =	shalt  }
0x84: {  	_ =	shalt  }
0x85: {  	_ =	shalt  }
0x86: {  	_ =	shalt  }
0x87: {  	_ =	shalt  }
.Lfunc_end0:
.L_simem_size_0:
called_computation.1_lowered:
.L_overlay_start_0:
0x88: {  	s2 =	sld [smem:$0x3FD9]  }
0x89: {  	s3 =	sld [smem:$0x3FFE];
	_ =	sdelay $0x1  }
0x8a: {  	s1 =	srdreg.scid  }
0x8b: {  	s0 =	sand.u32 $0x1, s1  }
0x8c: {  	s14 =	sshll.u32 s0, $0xA;
	s2 =	sadd.s32 s3, s2  }
0x8d: {  	s2 =	sadd.s32 s2, s14  }
0x8e: {  	[smem:$0x3FBC] =	sst s2  }
0x8f: {  	_ = 	snop  }
0x90: {  	s2 =	sld [smem:$0x3FD0];
	_ =	sdelay $0x2  }
0x91: {  	s15 =	simm.s32 $0xA;
	s4 =	simm.s32 $0x10  }
0x92: {  	[smem:s4], [sflag:s15] =	dma.local [hbm:s2], $0x1  }
0x93: {  	_ =	swait.eq [sflag:s15], $0x1  }
0x94: {  	[sflag:s15] =	ssyncset.done $0x0  }
0x95: {  	[sflag:s15] =	ssyncadd.s32 $0xFFFFFFFF  }
0x96: {  	s16 =	sld [smem:$0x13];
	(tm) =	ssettm $0x1  }
0x97: {  	s17 =	sld [smem:$0x3FFB];
	_ =	sdelay $0x3  }
0x98: {  	_ =	strace s17  }
0x99: {  	s3 =	sld [smem:$0x3FFC];
	_ =	sdelay $0x3  }
0x9a: {  	_ =	strace s3  }
0x9b: {  	s3 =	sld [smem:$0x3FFD];
	_ =	sdelay $0x3  }
0x9c: {  	_ =	strace s3  }
0x9d: {  	_ =	strace $0x8FFFFFFF  }
0x9e: {  	s18 =	sld [smem:$0x3FDB];
	_ =	sdelay $0x1  }
0x9f: {  	s19 =	simm.s32 $_scs_section_size  }
0xa0: {  	s5 =	simm.s32 $_size__tile_overlayer_lowered;
	s6 =	simm.s32 $_tile_overlayer_lowered  }
0xa1: {  	s22 =	simm.s32 $0x1BFF;
	s21 =	sshll.u32 s6, $0x1;
	s3 =	sadd.s32 s19, s18  }
0xa2: {  	s7 =	simm.s32 $0x0;
	s20 =	sshll.u32 s5, $0x1;
	s5 =	sadd.s32 s21, s3  }
0xa3: {  	[timem:s7], [sflag:s22] =	dma.local [hbm:s5], s20  }
0xa4: {  	_ =	swait.ge [sflag:s22], s20  }
0xa5: {  	s4 =	ssub.s32 $0x0, s20;
	[sflag:s22] =	ssyncset.done $0x0  }
0xa6: {  	[sflag:s22] =	ssyncadd.s32 s4;
	_ =	sdelay $0x1  }
0xa7: {  	s23 =	simm.s32 $0x1B8B  }
0xa8: {  	_ =	swait.ge [sflag:s23], $0x1  }
0xa9: {  	[sflag:s23] =	ssyncset.done $0x0  }
0xaa: {  	s25 =	simm.s32 $0x1B8E;
	s24 =	sld [smem:$0x3FFE];
	[sflag:s23] =	ssyncadd.s32 $0xFFFFFFFF  }
0xab: {  	s26 =	simm.s32 $execute0_lowered;
	[smem:$0x3FD2] =	sst s25  }
0xac: {  	s5 =	sshll.u32 s26, $0x1;
	_ =	strace $0x80000049;
	[dreg:$0x1] =	wrdreg $0xFFFFFFFF  }
0xad: {  	s28 =	simm.s32 $_size_execute0_lowered;
	s3 =	sadd.s32 s3, s5;
	[dreg:$0x0] =	wrdreg $0x0  }
0xae: {  	s5 =	sshll.u32 s28, $0x1;
	[dreg:$0x2] =	wrdreg s3  }
0xaf: {  	[dreg:$0x3] =	wrdreg s5  }
0xb0: {  	[dreg:$0x4] =	wrdreg $0xC0  }
0xb1: {  	_ =	task [dreg:s7], $0x5FFFF  }
0xb2: {  	[dreg:$0x1] =	wrdreg $0xFFFFFFFF  }
0xb3: {  	[dreg:$0x0] =	wrdreg $0x60  }
0xb4: {  	[dreg:$0x2] =	wrdreg s24  }
0xb5: {  	[dreg:$0x3] =	wrdreg s16  }
0xb6: {  	[dreg:$0x4] =	wrdreg $0x92000  }
0xb7: {  	[dreg:$0x5] =	wrdreg $0x9  }
0xb8: {  	_ =	task.clear_ibuf [dreg:s7], $0x6FFFF;
	_ =	strace $0x90000049  }
0xb9: {  	s29 =	simm.s32 $0x9;
	_ =	strace $0x8000004B  }
0xba: {  	_ =	swait.ge [sflag:s29], $0x1  }
0xbb: {  	[sflag:s29] =	ssyncadd.s32 $0xFFFFFFFF  }
0xbc: {  	_ =	strace $0x9000004B  }
0xbd: {  	_ =	sfence  }
0xbe: {  	s30 =	sld [smem:$0x0];
	_ =	sdelay $0x2  }
0xbf: {  	s31 =	sshll.u32 s1, $0xD;
	s1 =	sshrl.u32 s1, $0x2  }
0xc0: {  	s3 =	sand.u32 $0x4000, s31;
	s1 =	sadd.s32 s1, s30  }
0xc1: {  	s0 =	sor.u32 s3, s0;
	s1 =	sshll.u32 s1, $0x11  }
0xc2: {  	s0 =	sor.u32 s1, s0  }
0xc3: {  	s0 =	sadd.s32 $0x8F2B, s0  }
0xc4: {  	[sflag:s0] =	ssyncadd.remote.s32 $0x1  }
0xc5: {  	_ =	sfence.sel $0xFFFF  }
0xc6: {  	[dreg:$0x0] =	wrdreg $0xFFFFFFFF;
	(pc) =	sbr.abs _section_cstart, $3  }
0xc7: {  	[dreg:$0x1] =	wrdreg $0xFFFFFFFF  }
0xc8: {  	_ =	task.clear_ibuf [dreg:s7], $0x2FFFF;
	_ =	strace $0x9FFFFFFF  }
0xc9: {  	(tm) =	ssettm $0x7FFFFFFF  }
tec
execute0_lowered:
.L_overlay_start_1:
0x0: {  	(tag) =	ssettag $0x1  }
0x1: {  	s0 =	rddreg [dreg:$0x0]  }
0x2: {  	s3 =	rddreg [dreg:$0x2];
	s12 =	stileid.u32  }
0x3: {  	s1 =	srdreg.scid;
	s4 =	simm.s32 $0x0;
	s2 =	smul.u32 $0x2D00, s12  }
0x4: {  	s28 =	simm.s32 $0x80;
	s30 =	simm.s32 $0x4A00;
	s7 =	smul.u32 $0x5A000, s12  }
0x5: {  	s31 =	simm.s32 $0x1;
	s1 =	sand.u32 $0x1, s1;
	s14 =	smul.u32 $0x5000, s12  }
0x6: {  	[smem:$0x7FF] =	sst s4;
	s5 =	sadd.s32 $0x75800, s0;
	s21 =	smul.u32 $0xA00, s12  }
0x7: {  	s9 =	sadd.s32 $0x2800, s0;
	s10 =	sadd.s32 $0x1B800, s0;
	s6 =	smul.u32 $0x2D000, s1  }
0x8: {  	s11 =	sshll.u32 s12, $0x6;
	s8 =	smul.u32 $0x50000, s1;
	s1 =	ssub.s32 $0x2, s1  }
0x9: {  	_ =	strace $0x8000004A;
	s15 =	sshrl.u32 s1, $0x1;
	s16 =	sshrl.u32 s7, $0x2  }
0xa: {  	s2 =	sadd.s32 s2, s6;
	s1 =	ssub.s32 s1, s15;
	s17 =	sadd.s32 s14, s8  }
0xb: {  	s6 =	sshrl.u32 s14, $0x3;
	s14 =	sor.u32 $0x1C09, s11;
	s15 =	sadd.s32 s21, s10  }
0xc: {  	s21 =	simm.s32 $0x9;
	s0 =	sadd.s32 s2, s0;
	s2 =	sadd.s32 s16, s3  }
0xd: {  	s8 =	sshrl.u32 s17, $0x3;
	s13 =	sadd.s32 s10, s6;
	s22 =	sor.u32 $0x100, s17  }
0xe: {  	s1 =	smax.u32 s1, $0x1;
	s25 =	sor.u32 $0x140, s17;
	s26 =	sor.u32 $0xC0, s17  }
0xf: {  	s29 =	sor.u32 $0x180, s17;
	s10 =	simm.s32 $0x4;
	[dreg:$0x6] =	wrdreg s14  }
0x10: {  	s8 =	sadd.s32 s9, s8;
	s19 =	sadd.s32 $0x8, s13;
	[dreg:$0x5] =	wrdreg s13  }
0x11: {  	s23 =	sadd.s32 $0x10, s13;
	s0 =	sadd.s32 $0xCF800, s0;
	s24 =	sshrl.u32 s22, $0x3  }
0x12: {  	[dreg:$0xc] =	wrdreg s1;
	s1 =	sshrl.u32 s26, $0x3;
	s6 =	sshrl.u32 s29, $0x3  }
0x13: {  	s7 =	sshrl.u32 s2, $0x3;
	s22 =	simm.s32 $0x100;
	[dreg:$0x8] =	wrdreg s19  }
0x14: {  	s26 =	simm.s32 $0x2600;
	s2 =	simm.s32 $0x6E00;
	[dreg:$0x4] =	wrdreg s8  }
0x15: {  	s13 =	simm.s32 $0x7;
	s18 =	sadd.s32 $0x8, s8;
	[dreg:$0xa] =	wrdreg s23  }
0x16: {  	s20 =	sadd.s32 $0x10, s8;
	[dreg:$0xb] =	wrdreg s0;
	s16 =	sadd.s32 s24, s9  }
.Ltmp0:
0x17: {  	s0 =	sshrl.u32 s25, $0x3;
	s19 =	sadd.s32 s6, s9;
	(pc) =	sbr.rel .LBB2_1-.Ltmp0, $4  }
0x18: {  	s23 =	simm.s32 $0x40;
	s24 =	simm.s32 $0x200;
	[dreg:$0xd] =	wrdreg s7  }
0x19: {  	s25 =	simm.s32 $0x140;
	s8 =	simm.s32 $0x0;
	[dreg:$0x7] =	wrdreg s18  }
0x1a: {  	[dreg:$0x9] =	wrdreg s20;
	s17 =	sadd.s32 s0, s9;
	s18 =	sadd.s32 s1, s9  }
0x1b: {  	s0 =	simm.s32 $0xC0;
	s1 =	simm.s32 $0x1C0;
	s9 =	simm.s32 $0x2  }
.LBB2_4:
0x1c: {  	s6 =	simm.s32 $0x5  }
0x1d: {  	_ =	swait.ge [sflag:s6], $0x2400  }
0x1e: {  	[sflag:s6] =	ssyncset.done $0x0  }
0x1f: {  	s12 =	simm.s32 $0x6;
	[sflag:s6] =	ssyncadd.s32 $0xFFFFDC00  }
0x20: {  	_ =	swait.ge [sflag:s12], $0x2400  }
0x21: {  	[sflag:s12] =	ssyncset.done $0x0  }
0x22: {  	[sflag:s12] =	ssyncadd.s32 $0xFFFFDC00  }
0x23: {  	_ =	swait.ge [sflag:s13], $0x2400  }
0x24: {  	[sflag:s13] =	ssyncset.done $0x0  }
0x25: {  	s14 =	simm.s32 $0x8;
	[sflag:s13] =	ssyncadd.s32 $0xFFFFDC00  }
0x26: {  	_ =	swait.ge [sflag:s14], $0x2400  }
0x27: {  	[sflag:s14] =	ssyncset.done $0x0  }
0x28: {  	[sflag:s14] =	ssyncadd.s32 $0xFFFFDC00  }
0x29: {  	[bflag:$0x0] =	sbarrier.arrive $0xFFFF  }
0x2a: {  	s14 =	rddreg [dreg:$0x6]  }
0x2b: {  	s20 =	rddreg [dreg:$0xb]  }
0x2c: {  	s7 =	rddreg [dreg:$0xd]  }
0x2d: {  	[hbm:s20], [sflag:s14] =	dma.local [spmem:s7], $0x2D00  }
0x2e: {  	_ =	swait.ge [sflag:s21], $0x2D00  }
0x2f: {  	s8 =	rddreg [dreg:$0xe]  }
0x30: {  	s29 =	rddreg [dreg:$0xc];
	s8 =	sadd.s32 $0x1, s8  }
0x31: {  	p0 =	sne.s32 s8, s29  }
.Ltmp1:
0x32: {  	_ = 	snop;
	(pc) =	sbr.rel @!p0 .LBB2_5-.Ltmp1, $3  }
0x33: {  	_ =	sdelay $0x1  }
0x34: {  	[sflag:s21] =	ssyncset.done $0x0  }
0x35: {  	[sflag:s21] =	ssyncadd.s32 $0xFFFFD300  }
.LBB2_1:
0x36: {  	[dreg:$0xe] =	wrdreg s8  }
0x37: {  	s6 =	rddreg [dreg:$0x1]  }
0x38: {  	[spmem:s7], [sflag:s14] =	dma.local [hbm:s6], $0x2D00  }
0x39: {  	_ =	swait.ge [sflag:s21], $0x2D00  }
0x3a: {  	[sflag:s21] =	ssyncset.done $0x0  }
0x3b: {  	[sflag:s21] =	ssyncadd.s32 $0xFFFFD300  }
0x3c: {  	[bflag:$0x0] =	sbarrier.arrive $0xFFFF  }
0x3d: {  	s7 =	rddreg [dreg:$0x4]  }
0x3e: {  	[tilespmem:s4], [sflag:$0x9] =	stream.linear.gather [hbm4b:s7+s4], $0x40, $0x38;
	[tilespmem:$0x1FA00] =	vst v63  }
0x3f: {  	_ =	swait.ge [sflag:s21], $0x40  }
0x40: {  	[sflag:s21] =	ssyncset.done $0x0  }
0x41: {  	s8 =	rddreg [dreg:$0x5];
	[sflag:s21] =	ssyncadd.s32 $0xFFFFFFC0  }
0x42: {  	[tilespmem:s22], [sflag:$0x9] =	stream.linear.gather [hbm4b:s8+s4], $0x40, $0x38;
	[tilespmem:$0x1FA00] =	vst v63  }
0x43: {  	_ =	swait.ge [sflag:s21], $0x40  }
0x44: {  	[sflag:s21] =	ssyncset.done $0x0  }
0x45: {  	[sflag:s21] =	ssyncadd.s32 $0xFFFFFFC0  }
0x46: {  	[tilespmem:s24], [sflag:$0x1] =	stream.indirect.gather [hbm4b:s5+s23], $0x90, s4, s23, $0xb8;
	[tilespmem:$0x1FA00] =	vst v63  }
0x47: {  	s11 =	rddreg [dreg:$0x7]  }
0x48: {  	[tilespmem:s23], [sflag:$0x9] =	stream.linear.gather [hbm4b:s11+s4], $0x40, $0x38;
	[tilespmem:$0x1FA00] =	vst v63  }
0x49: {  	_ =	swait.ge [sflag:s21], $0x40  }
0x4a: {  	[sflag:s21] =	ssyncset.done $0x0  }
0x4b: {  	s12 =	rddreg [dreg:$0x8];
	[sflag:s21] =	ssyncadd.s32 $0xFFFFFFC0  }
0x4c: {  	[tilespmem:s25], [sflag:$0x9] =	stream.linear.gather [hbm4b:s12+s4], $0x40, $0x38;
	[tilespmem:$0x1FA00] =	vst v63  }
0x4d: {  	_ =	swait.ge [sflag:s21], $0x40  }
0x4e: {  	[sflag:s21] =	ssyncset.done $0x0  }
0x4f: {  	[sflag:s21] =	ssyncadd.s32 $0xFFFFFFC0  }
0x50: {  	[tilespmem:s26], [sflag:$0x2] =	stream.indirect.gather [hbm4b:s5+s23], $0x90, s23, s23, $0xb8;
	[tilespmem:$0x1FA00] =	vst v63  }
0x51: {  	s14 =	rddreg [dreg:$0x9]  }
0x52: {  	[tilespmem:s28], [sflag:$0x9] =	stream.linear.gather [hbm4b:s14+s4], $0x40, $0x38;
	[tilespmem:$0x1FA00] =	vst v63  }
0x53: {  	_ =	swait.ge [sflag:s21], $0x40  }
0x54: {  	[sflag:s21] =	ssyncset.done $0x0  }
0x55: {  	s29 =	simm.s32 $0x180;
	s20 =	rddreg [dreg:$0xa];
	[sflag:s21] =	ssyncadd.s32 $0xFFFFFFC0  }
0x56: {  	[tilespmem:s29], [sflag:$0x9] =	stream.linear.gather [hbm4b:s20+s4], $0x40, $0x38;
	[tilespmem:$0x1FA00] =	vst v63  }
0x57: {  	_ =	swait.ge [sflag:s21], $0x40  }
0x58: {  	[sflag:s21] =	ssyncset.done $0x0  }
0x59: {  	s7 =	simm.s32 $0x0;
	[sflag:s21] =	ssyncadd.s32 $0xFFFFFFC0  }
0x5a: {  	[tilespmem:s30], [sflag:$0x3] =	stream.indirect.gather [hbm4b:s5+s23], $0x90, s28, s23, $0xb8;
	[tilespmem:$0x1FA00] =	vst v63  }
.LBB2_2:
0x5b: {  	_ =	swait.ge [sflag:s31], $0x2400  }
0x5c: {  	p0 =	seq.s32 s7, $0x0;
	[sflag:s31] =	ssyncset.done $0x0  }
0x5d: {  	s11 =	simm.s32 @!p0 $0x8;
	[sflag:s31] =	ssyncadd.s32 $0xFFFFDC00  }
0x5e: {  	[spmem:s3] =	stream.indirect.scatter.add.f32 [tilespmem:s24], [sflag:$0x5], $0x90, s22, s23, $0xb8;
	[tilespmem:$0x1FA00] =	vst v63  }
0x5f: {  	_ =	swait.ge @!p0 [sflag:s11], $0x2400  }
0x60: {  	[sflag:s11] =	ssyncset.done @!p0 $0x0  }
0x61: {  	s29 =	sadd.s32 s7, s18;
	[sflag:s11] =	ssyncadd.s32 @!p0 $0xFFFFDC00  }
0x62: {  	[tilespmem:s0], [sflag:$0x9] =	stream.linear.gather [hbm4b:s29+s4], $0x40, $0x38;
	[tilespmem:$0x1FA00] =	vst v63  }
0x63: {  	_ =	swait.ge [sflag:s21], $0x40  }
0x64: {  	s11 =	sadd.s32 s7, s15;
	[sflag:s21] =	ssyncset.done $0x0  }
0x65: {  	s12 =	sadd.s32 $0x18, s11;
	[sflag:s21] =	ssyncadd.s32 $0xFFFFFFC0  }
0x66: {  	[tilespmem:s1], [sflag:$0x9] =	stream.linear.gather [hbm4b:s12+s4], $0x40, $0x38;
	[tilespmem:$0x1FA00] =	vst v63  }
0x67: {  	_ =	swait.ge [sflag:s21], $0x40  }
0x68: {  	[sflag:s21] =	ssyncset.done $0x0  }
0x69: {  	[sflag:s21] =	ssyncadd.s32 $0xFFFFFFC0  }
0x6a: {  	[tilespmem:s2], [sflag:$0x4] =	stream.indirect.gather [hbm4b:s5+s23], $0x90, s0, s23, $0xb8;
	[tilespmem:$0x1FA00] =	vst v63  }
0x6b: {  	_ =	swait.ge [sflag:s9], $0x2400  }
0x6c: {  	p0 =	seq.s32 s7, $0x9E0;
	[sflag:s9] =	ssyncset.done $0x0  }
0x6d: {  	s12 =	simm.s32 @p0 $0x3;
	[sflag:s9] =	ssyncadd.s32 $0xFFFFDC00  }
0x6e: {  	[spmem:s3] =	stream.indirect.scatter.add.f32 [tilespmem:s26], [sflag:$0x6], $0x90, s25, s23, $0xb8;
	[tilespmem:$0x1FA00] =	vst v63  }
0x6f: {  	_ =	swait.ge @p0 [sflag:s12], $0x2400  }
0x70: {  	s14 =	simm.s32 @p0 $0x180;
	[sflag:s12] =	ssyncset.done @p0 $0x0  }
0x71: {  	s8 =	simm.s32 @p0 $0x4A00;
	[sflag:s12] =	ssyncadd.s32 @p0 $0xFFFFDC00;
	s12 =	simm.s32 @p0 $0x40  }
0x72: {  	[spmem:s3] =	stream.indirect.scatter.add.f32 @p0 [tilespmem:s8], [sflag:$0x7], $0x90, s14, s12, $0xb8;
	[tilespmem:$0x1FA00] =	vst v63  }
0x73: {  	s8 =	simm.s32 @!p0 $0x5  }
0x74: {  	_ =	swait.ge @!p0 [sflag:s8], $0x2400  }
0x75: {  	[sflag:s8] =	ssyncset.done @!p0 $0x0  }
0x76: {  	s12 =	simm.s32 @!p0 $0x0;
	[sflag:s8] =	ssyncadd.s32 @!p0 $0xFFFFDC00;
	s8 =	sadd.s32 @!p0 s7, s16  }
0x77: {  	[tilespmem:s12], [sflag:$0x9] =	stream.linear.gather @!p0 [hbm4b:s8+s12], $0x40, $0x38;
	[tilespmem:$0x1FA00] =	vst v63  }
0x78: {  	s8 =	simm.s32 @!p0 $0x9  }
0x79: {  	_ =	swait.ge @!p0 [sflag:s8], $0x40  }
0x7a: {  	s14 =	sadd.s32 @!p0 s7, s15;
	[sflag:s8] =	ssyncset.done @!p0 $0x0  }
0x7b: {  	s6 =	simm.s32 @!p0 $0x100;
	s20 =	sadd.s32 @!p0 $0x20, s14;
	[sflag:s8] =	ssyncadd.s32 @!p0 $0xFFFFFFC0  }
0x7c: {  	[tilespmem:s6], [sflag:$0x9] =	stream.linear.gather @!p0 [hbm4b:s20+s12], $0x40, $0x38;
	[tilespmem:$0x1FA00] =	vst v63  }
0x7d: {  	_ =	swait.ge @!p0 [sflag:s8], $0x40  }
0x7e: {  	[sflag:s8] =	ssyncset.done @!p0 $0x0  }
0x7f: {  	s6 =	simm.s32 @!p0 $0x40;
	s20 =	simm.s32 @!p0 $0x200;
	[sflag:s8] =	ssyncadd.s32 @!p0 $0xFFFFFFC0  }
0x80: {  	[tilespmem:s20], [sflag:$0x1] =	stream.indirect.gather @!p0 [hbm4b:s5+s6], $0x90, s12, s6, $0xb8;
	[tilespmem:$0x1FA00] =	vst v63  }
0x81: {  	s20 =	simm.s32 @!p0 $0x3  }
0x82: {  	_ =	swait.ge @!p0 [sflag:s20], $0x2400  }
0x83: {  	[sflag:s20] =	ssyncset.done @!p0 $0x0  }
0x84: {  	s29 =	simm.s32 @!p0 $0x4A00;
	[sflag:s20] =	ssyncadd.s32 @!p0 $0xFFFFDC00;
	s20 =	simm.s32 @!p0 $0x180  }
0x85: {  	[spmem:s3] =	stream.indirect.scatter.add.f32 @!p0 [tilespmem:s29], [sflag:$0x7], $0x90, s20, s6, $0xb8;
	[tilespmem:$0x1FA00] =	vst v63  }
0x86: {  	s20 =	simm.s32 @!p0 $0x6  }
0x87: {  	_ =	swait.ge @!p0 [sflag:s20], $0x2400  }
0x88: {  	[sflag:s20] =	ssyncset.done @!p0 $0x0  }
0x89: {  	[sflag:s20] =	ssyncadd.s32 @!p0 $0xFFFFDC00;
	s20 =	sadd.s32 @!p0 s7, s17  }
0x8a: {  	[tilespmem:s6], [sflag:$0x9] =	stream.linear.gather @!p0 [hbm4b:s20+s12], $0x40, $0x38;
	[tilespmem:$0x1FA00] =	vst v63  }
0x8b: {  	_ =	swait.ge @!p0 [sflag:s8], $0x40  }
0x8c: {  	[sflag:s8] =	ssyncset.done @!p0 $0x0  }
0x8d: {  	s14 =	sadd.s32 @!p0 $0x28, s14;
	s20 =	simm.s32 @!p0 $0x140;
	[sflag:s8] =	ssyncadd.s32 @!p0 $0xFFFFFFC0  }
0x8e: {  	[tilespmem:s20], [sflag:$0x9] =	stream.linear.gather @!p0 [hbm4b:s14+s12], $0x40, $0x38;
	[tilespmem:$0x1FA00] =	vst v63  }
0x8f: {  	_ =	swait.ge @!p0 [sflag:s8], $0x40  }
0x90: {  	[sflag:s8] =	ssyncset.done @!p0 $0x0  }
0x91: {  	[sflag:s8] =	ssyncadd.s32 @!p0 $0xFFFFFFC0;
	s8 =	simm.s32 @!p0 $0x2600  }
0x92: {  	[tilespmem:s8], [sflag:$0x2] =	stream.indirect.gather @!p0 [hbm4b:s5+s6], $0x90, s6, s6, $0xb8;
	[tilespmem:$0x1FA00] =	vst v63  }
.Ltmp2:
0x93: {  	_ = 	snop;
	(pc) =	sbr.rel @p0 .LBB2_4-.Ltmp2, $4  }
0x94: {  	_ =	swait.ge [sflag:s10], $0x2400  }
0x95: {  	[sflag:s10] =	ssyncset.done $0x0  }
0x96: {  	[sflag:s10] =	ssyncadd.s32 $0xFFFFDC00  }
0x97: {  	[spmem:s3] =	stream.indirect.scatter.add.f32 [tilespmem:s2], [sflag:$0x8], $0x90, s1, s23, $0xb8;
	[tilespmem:$0x1FA00] =	vst v63  }
0x98: {  	_ =	swait.ge [sflag:s13], $0x2400  }
0x99: {  	[sflag:s13] =	ssyncset.done $0x0  }
0x9a: {  	s6 =	sadd.s32 s7, s19;
	[sflag:s13] =	ssyncadd.s32 $0xFFFFDC00  }
0x9b: {  	[tilespmem:s28], [sflag:$0x9] =	stream.linear.gather [hbm4b:s6+s4], $0x40, $0x38;
	[tilespmem:$0x1FA00] =	vst v63  }
0x9c: {  	_ =	swait.ge [sflag:s21], $0x40  }
0x9d: {  	[sflag:s21] =	ssyncset.done $0x0  }
0x9e: {  	s29 =	sadd.s32 $0x30, s11;
	s8 =	simm.s32 $0x180;
	[sflag:s21] =	ssyncadd.s32 $0xFFFFFFC0  }
0x9f: {  	[tilespmem:s8], [sflag:$0x9] =	stream.linear.gather [hbm4b:s29+s4], $0x40, $0x38;
	[tilespmem:$0x1FA00] =	vst v63  }
.Ltmp3:
0xa0: {  	_ = 	snop;
	(pc) =	sbr.rel .LBB2_2-.Ltmp3, $4  }
0xa1: {  	_ =	swait.ge [sflag:s21], $0x40  }
0xa2: {  	[sflag:s21] =	ssyncset.done $0x0  }
0xa3: {  	s7 =	sadd.s32 $0x20, s7;
	[sflag:s21] =	ssyncadd.s32 $0xFFFFFFC0  }
0xa4: {  	[tilespmem:s30], [sflag:$0x3] =	stream.indirect.gather [hbm4b:s5+s23], $0x90, s28, s23, $0xb8;
	[tilespmem:$0x1FA00] =	vst v63  }
.LBB2_5:
0xa5: {  	_ =	sfence.sel $0x180000  }
0xa6: {  	[bflag:$0x0] =	sbarrier.arrive $0xFFFF  }
0xa7: {  	_ =	strace $0x9000004A  }
0xa8: {  	s0 =	stileid.u32;
	[bflag:$0x2] =	sbarrier.arrive $0xFFFF  }
0xa9: {  	p0 =	sne.s32 s0, $0x0;
	s0 =	rddreg [dreg:$0x3]  }
0xaa: {  	s0 =	sadd.s32 @!p0 $0x100000, s0  }
0xab: {  	[sflag:s0] =	ssyncadd.tile.s32 @!p0 $0x1;
	_ =	shalt  }
.Lfunc_end2:
_tile_overlayer_lowered:
.L_overlay_start_2:
0xac: {  	(tag) =	ssettag $0x2  }
0xad: {  	s0 =	rddreg [dreg:$0x0];
	s2 =	stileid.u32  }
0xae: {  	s1 =	rddreg [dreg:$0x1];
	p0 =	sne.s32 s2, $0x0  }
0xaf: {  	s3 =	rddreg [dreg:$0x2];
	[bflag:$0x3] =	sbarrier.arrive $0xFFFF;
	s2 =	simm.s32 @!p0 $0x1C09  }
0xb0: {  	[timem:s3], [sflag:s2] =	dma.local @!p0 [hbm:s0], s1  }
0xb1: {  	s0 =	simm.s32 @!p0 $0x9  }
0xb2: {  	_ =	swait.ge @!p0 [sflag:s0], s1  }
0xb3: {  	s1 =	ssub.s32 @!p0 $0x0, s1;
	[sflag:s0] =	ssyncset.done @!p0 $0x0  }
0xb4: {  	[sflag:s0] =	ssyncadd.s32 @!p0 s1  }
0xb5: {  	[bflag:$0x3] =	sbarrier.arrive $0xFFFF  }
0xb6: {  	_ =	shalt  }

// kernel: kernel.15.cloned.1.call-start
scs
__scs_entry_jumppad:
0x0: {  	(pc) =	sbr.rel $0x88, $3  }
0x1: {  	(tag) =	ssettag $0x0;
	lr =	simm.s32 $0x1  }
0x2: {  	[smem:$0x3F95] =	sst lr;
	_ =	strace $0xD0000000  }
0x3: {  	_ = 	snop  }
0x4: {  	_ = 	snop  }
0x5: {  	_ = 	snop  }
0x6: {  	_ = 	snop  }
0x7: {  	_ = 	snop  }
__scs_overlays_trampoline_lowered:
0x8: {  	[smem:$0x3FA4] =	sst s0  }
0x9: {  	[smem:$0x3FA5] =	sst s1  }
0xa: {  	[smem:$0x3FA6] =	sst s2  }
0xb: {  	[smem:$0x3FA7] =	sst s3  }
0xc: {  	[smem:$0x3FA8] =	sst s4  }
0xd: {  	[smem:$0x3FA9] =	sst s5  }
0xe: {  	[smem:$0x3FAA] =	sst s6  }
0xf: {  	[smem:$0x3FAB] =	sst s7  }
0x10: {  	[smem:$0x3FAC] =	sst s8  }
0x11: {  	[smem:$0x3FAD] =	sst s9;
	s0 =	simm.s32 @!p0 $0x0  }
0x12: {  	s1 =	sld [smem:$0x3F93];
	s0 =	simm.s32 @p0 $0x1  }
0x13: {  	[smem:$0x3FAE] =	sst s0;
	s0 =	simm.s32 @!p1 $0x0  }
0x14: {  	s2 =	sld [smem:$0x3F92];
	s0 =	simm.s32 @p1 $0x1  }
0x15: {  	[smem:$0x3FAF] =	sst s0;
	s0 =	simm.s32 @!p2 $0x0  }
0x16: {  	s3 =	sld [smem:$0x3FDB];
	s0 =	simm.s32 @p2 $0x1  }
0x17: {  	s4 =	simm.s32 $0x1BF5;
	[smem:$0x3FB1] =	sst s0  }
0x18: {  	s0 =	sld [smem:$0x3F94];
	_ =	swait.ge [sflag:s4], $0x0  }
0x19: {  	s7 =	sld [smem:$0x3F95]  }
0x1a: {  	s8 =	sadd.s32 $0xFFFFE003, lr  }
0x1b: {  	s9 =	sadd.s32 $0xFFFFFEF7, lr;
	s5 =	simm.s32 $0xFFFFFFFF;
	p2 =	slt.u32 s8, $0xFFFFF086  }
0x1c: {  	p1 =	slt.u32 s9, $0xF7A;
	s5 =	simm.s32 @!p2 $0x0  }
0x1d: {  	s5 =	simm.s32 @p1 $0x1;
	p0 =	seq.s32 s7, s2  }
0x1e: {  	s7 =	smul.u32 @!p0 $0xF7A, s2;
	p2 =	seq.s32 @!p0 s5, $0x0  }
0x1f: {  	s9 =	smul.u32 $0xF7A, s1;
	s8 =	simm.s32 @!p0 $0x1BF5;
	p2 =	por !p2, p0  }
0x20: {  	[sflag:s8] =	ssyncset.s32 @!p0 $0xFFFFF086;
	s6 =	sadd.s32 @!p0 s3, s7;
	s7 =	simm.s32 @!p0 $0x108  }
0x21: {  	s3 =	sadd.s32 s3, s9;
	s6 =	sadd.s32 @!p0 $0x88, s6;
	s7 =	simm.s32 @p2 $0x1082  }
0x22: {  	[simem:s7], [sflag:s8] =	dma.local @!p0 [hbm:s6], $0xF7A  }
0x23: {  	s9 =	sor.u32 $0xD0000000, s2;
	s6 =	simm.s32 $0x108;
	_ =	swait.ge @!p0 [sflag:s8], $0x0  }
0x24: {  	s3 =	sadd.s32 $0x88, s3;
	s6 =	simm.s32 @!p1 $0x1082;
	[sflag:s4] =	ssyncset.s32 $0xFFFFF086  }
0x25: {  	[simem:s6], [sflag:s4] =	dma.local [hbm:s3], $0xF7A  }
0x26: {  	[smem:$0x3F95] =	sst s1;
	(tag) =	ssettag s2;
	_ =	strace s9  }
0x27: {  	s1 =	sld [smem:$0x3FA5]  }
0x28: {  	s2 =	sld [smem:$0x3FA6]  }
0x29: {  	s4 =	sld [smem:$0x3FA8]  }
0x2a: {  	p0 =	seq.s32 s5, $0x0;
	s5 =	sld [smem:$0x3FA9]  }
0x2b: {  	s6 =	sld [smem:$0x3FAA]  }
0x2c: {  	s7 =	sld [smem:$0x3FAB]  }
0x2d: {  	s3 =	simm.s32 $0x108;
	s8 =	sld [smem:$0x3FAC]  }
0x2e: {  	s3 =	simm.s32 @!p0 $0x1082;
	s9 =	sld [smem:$0x3FAD]  }
0x2f: {  	lr =	sadd.s32 s0, s3;
	s0 =	sld [smem:$0x3FA4]  }
0x30: {  	s3 =	sld [smem:$0x3FA7]  }
0x31: {  	[smem:$0x3FB0] =	sst s10  }
0x32: {  	s10 =	sld [smem:$0x3FAE];
	_ =	sdelay $0x3  }
0x33: {  	p0 =	seq.s32 s10, $0x1;
	s10 =	sld [smem:$0x3FB0];
	_ =	sdelay $0x3  }
0x34: {  	[smem:$0x3FB0] =	sst s10  }
0x35: {  	s10 =	sld [smem:$0x3FAF];
	_ =	sdelay $0x3  }
0x36: {  	p1 =	seq.s32 s10, $0x1;
	s10 =	sld [smem:$0x3FB0];
	_ =	sdelay $0x3  }
0x37: {  	[smem:$0x3FB0] =	sst s10  }
0x38: {  	s10 =	sld [smem:$0x3FB1]  }
0x39: {  	_ = 	snop;
	(pc) =	sbr.ind lr, $3  }
0x3a: {  	_ = 	snop  }
0x3b: {  	_ = 	snop  }
0x3c: {  	p2 =	seq.s32 s10, $0x1;
	s10 =	sld [smem:$0x3FB0]  }
0x3d: {  	_ =	shalt  }
0x3e: {  	_ =	shalt  }
0x3f: {  	_ =	shalt  }
0x40: {  	_ =	shalt  }
0x41: {  	_ =	shalt  }
0x42: {  	_ =	shalt  }
0x43: {  	_ =	shalt  }
0x44: {  	_ =	shalt  }
0x45: {  	_ =	shalt  }
0x46: {  	_ =	shalt  }
0x47: {  	_ =	shalt  }
0x48: {  	_ =	shalt  }
0x49: {  	_ =	shalt  }
0x4a: {  	_ =	shalt  }
0x4b: {  	_ =	shalt  }
0x4c: {  	_ =	shalt  }
0x4d: {  	_ =	shalt  }
0x4e: {  	_ =	shalt  }
0x4f: {  	_ =	shalt  }
0x50: {  	_ =	shalt  }
0x51: {  	_ =	shalt  }
0x52: {  	_ =	shalt  }
0x53: {  	_ =	shalt  }
0x54: {  	_ =	shalt  }
0x55: {  	_ =	shalt  }
0x56: {  	_ =	shalt  }
0x57: {  	_ =	shalt  }
0x58: {  	_ =	shalt  }
0x59: {  	_ =	shalt  }
0x5a: {  	_ =	shalt  }
0x5b: {  	_ =	shalt  }
0x5c: {  	_ =	shalt  }
0x5d: {  	_ =	shalt  }
0x5e: {  	_ =	shalt  }
0x5f: {  	_ =	shalt  }
0x60: {  	_ =	shalt  }
0x61: {  	_ =	shalt  }
0x62: {  	_ =	shalt  }
0x63: {  	_ =	shalt  }
0x64: {  	_ =	shalt  }
0x65: {  	_ =	shalt  }
0x66: {  	_ =	shalt  }
0x67: {  	_ =	shalt  }
0x68: {  	_ =	shalt  }
0x69: {  	_ =	shalt  }
0x6a: {  	_ =	shalt  }
0x6b: {  	_ =	shalt  }
0x6c: {  	_ =	shalt  }
0x6d: {  	_ =	shalt  }
0x6e: {  	_ =	shalt  }
0x6f: {  	_ =	shalt  }
0x70: {  	_ =	shalt  }
0x71: {  	_ =	shalt  }
0x72: {  	_ =	shalt  }
0x73: {  	_ =	shalt  }
0x74: {  	_ =	shalt  }
0x75: {  	_ =	shalt  }
0x76: {  	_ =	shalt  }
0x77: {  	_ =	shalt  }
0x78: {  	_ =	shalt  }
0x79: {  	_ =	shalt  }
0x7a: {  	_ =	shalt  }
0x7b: {  	_ =	shalt  }
0x7c: {  	_ =	shalt  }
0x7d: {  	_ =	shalt  }
0x7e: {  	_ =	shalt  }
0x7f: {  	_ =	shalt  }
0x80: {  	_ =	shalt  }
0x81: {  	_ =	shalt  }
0x82: {  	_ =	shalt  }
0x83: {  	_ =	shalt  }
0x84: {  	_ =	shalt  }
0x85: {  	_ =	shalt  }
0x86: {  	_ =	shalt  }
0x87: {  	_ =	shalt  }
.Lfunc_end0:
.L_simem_size_0:
called_computation.2_lowered:
.L_overlay_start_0:
0x88: {  	s2 =	sld [smem:$0x3FD9]  }
0x89: {  	s3 =	sld [smem:$0x3FFE];
	_ =	sdelay $0x1  }
0x8a: {  	s1 =	srdreg.scid  }
0x8b: {  	s0 =	sand.u32 $0x1, s1  }
0x8c: {  	s14 =	sshll.u32 s0, $0xA;
	s2 =	sadd.s32 s3, s2  }
0x8d: {  	s2 =	sadd.s32 s2, s14  }
0x8e: {  	[smem:$0x3FBC] =	sst s2  }
0x8f: {  	_ = 	snop  }
0x90: {  	s2 =	sld [smem:$0x3FD0];
	_ =	sdelay $0x2  }
0x91: {  	s15 =	simm.s32 $0xA;
	s4 =	simm.s32 $0x10  }
0x92: {  	[smem:s4], [sflag:s15] =	dma.local [hbm:s2], $0x1  }
0x93: {  	_ =	swait.eq [sflag:s15], $0x1  }
0x94: {  	[sflag:s15] =	ssyncset.done $0x0  }
0x95: {  	s16 =	sld [smem:$0x10];
	[sflag:s15] =	ssyncadd.s32 $0xFFFFFFFF  }
0x96: {  	s17 =	sld [smem:$0x13];
	(tm) =	ssettm $0x1  }
0x97: {  	s18 =	sld [smem:$0x3FFB];
	_ =	sdelay $0x3  }
0x98: {  	_ =	strace s18  }
0x99: {  	s4 =	sld [smem:$0x3FFC];
	_ =	sdelay $0x3  }
0x9a: {  	_ =	strace s4  }
0x9b: {  	s4 =	sld [smem:$0x3FFD];
	_ =	sdelay $0x3  }
0x9c: {  	_ =	strace s4  }
0x9d: {  	_ =	strace $0x8FFFFFFF  }
0x9e: {  	s19 =	sld [smem:$0x3FDB];
	_ =	sdelay $0x1  }
0x9f: {  	s5 =	simm.s32 $_scs_section_size  }
0xa0: {  	s6 =	simm.s32 $_size__tile_overlayer_lowered;
	s7 =	simm.s32 $_tile_overlayer_lowered  }
0xa1: {  	s22 =	simm.s32 $0x1BFF;
	s21 =	sshll.u32 s7, $0x1;
	s4 =	sadd.s32 s5, s19  }
0xa2: {  	s8 =	simm.s32 $0x0;
	s20 =	sshll.u32 s6, $0x1;
	s6 =	sadd.s32 s21, s4  }
0xa3: {  	[timem:s8], [sflag:s22] =	dma.local [hbm:s6], s20  }
0xa4: {  	_ =	swait.ge [sflag:s22], s20  }
0xa5: {  	s5 =	ssub.s32 $0x0, s20;
	[sflag:s22] =	ssyncset.done $0x0  }
0xa6: {  	[sflag:s22] =	ssyncadd.s32 s5;
	_ =	sdelay $0x1  }
0xa7: {  	s23 =	simm.s32 $0x1B8B  }
0xa8: {  	_ =	swait.ge [sflag:s23], $0x1  }
0xa9: {  	[sflag:s23] =	ssyncset.done $0x0  }
0xaa: {  	s25 =	simm.s32 $0x1B8E;
	s24 =	sld [smem:$0x3FFE];
	[sflag:s23] =	ssyncadd.s32 $0xFFFFFFFF  }
0xab: {  	s26 =	simm.s32 $execute0_lowered;
	[smem:$0x3FD2] =	sst s25  }
0xac: {  	s6 =	sshll.u32 s26, $0x1;
	_ =	strace $0x8000004C;
	[dreg:$0x1] =	wrdreg $0xFFFFFFFF  }
0xad: {  	s28 =	simm.s32 $_size_execute0_lowered;
	s4 =	sadd.s32 s4, s6;
	[dreg:$0x0] =	wrdreg $0x0  }
0xae: {  	s6 =	sshll.u32 s28, $0x1;
	[dreg:$0x2] =	wrdreg s4  }
0xaf: {  	[dreg:$0x3] =	wrdreg s6  }
0xb0: {  	[dreg:$0x4] =	wrdreg $0xC0  }
0xb1: {  	_ =	task [dreg:s8], $0x5FFFF  }
0xb2: {  	[dreg:$0x1] =	wrdreg $0xFFFFFFFF  }
0xb3: {  	[dreg:$0x0] =	wrdreg $0x60  }
0xb4: {  	[dreg:$0x2] =	wrdreg s24  }
0xb5: {  	[dreg:$0x3] =	wrdreg s17  }
0xb6: {  	[dreg:$0x4] =	wrdreg s16  }
0xb7: {  	[dreg:$0x5] =	wrdreg $0x22000  }
0xb8: {  	[dreg:$0x6] =	wrdreg $0x72000  }
0xb9: {  	[dreg:$0x7] =	wrdreg $0x9  }
0xba: {  	_ =	task.clear_ibuf [dreg:s8], $0x8FFFF;
	_ =	strace $0x9000004C  }
0xbb: {  	s29 =	simm.s32 $0x9;
	_ =	strace $0x8000004E  }
0xbc: {  	_ =	swait.ge [sflag:s29], $0x1  }
0xbd: {  	[sflag:s29] =	ssyncadd.s32 $0xFFFFFFFF  }
0xbe: {  	_ =	strace $0x9000004E  }
0xbf: {  	_ =	sfence  }
0xc0: {  	s30 =	sld [smem:$0x0];
	_ =	sdelay $0x2  }
0xc1: {  	s31 =	sshll.u32 s1, $0xD;
	s1 =	sshrl.u32 s1, $0x2  }
0xc2: {  	s3 =	sand.u32 $0x4000, s31;
	s1 =	sadd.s32 s1, s30  }
0xc3: {  	s0 =	sor.u32 s3, s0;
	s1 =	sshll.u32 s1, $0x11  }
0xc4: {  	s0 =	sor.u32 s1, s0  }
0xc5: {  	s0 =	sadd.s32 $0x8F2B, s0  }
0xc6: {  	[sflag:s0] =	ssyncadd.remote.s32 $0x1  }
0xc7: {  	_ =	sfence.sel $0xFFFF  }
0xc8: {  	[dreg:$0x0] =	wrdreg $0xFFFFFFFF;
	(pc) =	sbr.abs _section_cstart, $3  }
0xc9: {  	[dreg:$0x1] =	wrdreg $0xFFFFFFFF  }
0xca: {  	_ =	task.clear_ibuf [dreg:s8], $0x2FFFF;
	_ =	strace $0x9FFFFFFF  }
0xcb: {  	(tm) =	ssettm $0x7FFFFFFF  }
tec
execute0_lowered:
.L_overlay_start_1:
0x0: {  	(tag) =	ssettag $0x1  }
0x1: {  	s6 =	rddreg [dreg:$0x0]  }
0x2: {  	s2 =	rddreg [dreg:$0x1]  }
0x3: {  	s10 =	rddreg [dreg:$0x2]  }
0x4: {  	s3 =	rddreg [dreg:$0x3]  }
0x5: {  	s4 =	rddreg [dreg:$0x4]  }
0x6: {  	s0 =	stileid.u32;
	s1 =	rddreg [dreg:$0x5]  }
0x7: {  	s5 =	simm.s32 $0x0;
	s8 =	srdreg.scid;
	s18 =	simm.s32 $0x100  }
0x8: {  	s19 =	simm.s32 $0x1200;
	s20 =	simm.s32 $0x1;
	s21 =	simm.s32 $0x2  }
0x9: {  	s22 =	simm.s32 $0x180;
	s23 =	simm.s32 $0x0;
	s7 =	smul.u32 $0x5000, s0  }
0xa: {  	[smem:$0x7FF] =	sst s5;
	s8 =	sand.u32 $0x1, s8;
	s13 =	smul.u32 $0xA00, s0  }
0xb: {  	s14 =	sadd.s32 $0x129800, s6;
	s31 =	sshll.u32 s0, $0x6;
	_ =	strace $0x8000004D  }
0xc: {  	s11 =	sshll.u32 s8, $0x4;
	s12 =	ssub.s32 $0x2, s8;
	s15 =	smul.u32 $0xA000, s8  }
0xd: {  	s9 =	sshrl.u32 s7, $0x3;
	s11 =	sor.u32 s0, s11;
	s30 =	sshrl.u32 s12, $0x1  }
0xe: {  	s16 =	sadd.s32 s7, s3;
	s17 =	sadd.s32 s7, s4;
	s9 =	sadd.s32 s9, s6  }
0xf: {  	s11 =	smul.u32 $0xA00, s11;
	s12 =	ssub.s32 s12, s30;
	s6 =	sor.u32 $0x1C03, s31  }
0x10: {  	s13 =	sadd.s32 s13, s15;
	s15 =	sshrl.u32 s17, $0x3;
	s17 =	simm.s32 $0x200  }
0x11: {  	s7 =	sadd.s32 $0x2800, s9;
	s10 =	sadd.s32 s10, s13;
	s8 =	sadd.s32 s14, s11  }
0x12: {  	s11 =	smax.u32 s12, $0x1;
	s12 =	sadd.s32 s14, s13;
	s13 =	sshrl.u32 s16, $0x3  }
0x13: {  	s14 =	simm.s32 $0x3;
	s16 =	simm.s32 $0x80;
	s9 =	sadd.s32 $0x20, s8  }
.LBB2_1:
0x14: {  	[spmem:s13], [sflag:s6] =	dma.local [hbm:s2], $0xA00  }
0x15: {  	_ =	swait.ge [sflag:s14], $0xA00  }
0x16: {  	[sflag:s14] =	ssyncset.done $0x0  }
0x17: {  	[sflag:s14] =	ssyncadd.s32 $0xFFFFF600  }
0x18: {  	[spmem:s15], [sflag:s6] =	dma.local [hbm:s7], $0xA00  }
0x19: {  	_ =	swait.ge [sflag:s14], $0xA00  }
0x1a: {  	[sflag:s14] =	ssyncset.done $0x0  }
0x1b: {  	[sflag:s14] =	ssyncadd.s32 $0xFFFFF600  }
0x1c: {  	[bflag:$0x0] =	sbarrier.arrive $0xFFFF  }
0x1d: {  	[tilespmem:s5], [sflag:$0x3] =	stream.linear.gather [hbm4b:s8+s5], $0x100, $0x38;
	[tilespmem:$0xC200] =	vst v63  }
0x1e: {  	_ =	swait.ge [sflag:s14], $0x100  }
0x1f: {  	[sflag:s14] =	ssyncset.done $0x0  }
0x20: {  	[sflag:s14] =	ssyncadd.s32 $0xFFFFFF00  }
0x21: {  	[tilespmem:s17], [sflag:$0x1] =	stream.indirect.gather [spmem:s4], $0x20, s5, s16, $0xb8;
	[tilespmem:$0xC200] =	vst v63  }
0x22: {  	_ = 	snop  }
0x23: {  	[tilespmem:s18], [sflag:$0x3] =	stream.linear.gather [hbm4b:s9+s5], $0x100, $0x38;
	[tilespmem:$0xC200] =	vst v63  }
0x24: {  	_ =	swait.ge [sflag:s14], $0x100  }
0x25: {  	[sflag:s14] =	ssyncset.done $0x0  }
0x26: {  	[sflag:s14] =	ssyncadd.s32 $0xFFFFFF00  }
0x27: {  	[tilespmem:s19], [sflag:$0x2] =	stream.indirect.gather [spmem:s4], $0x20, s18, s16, $0xb8;
	[tilespmem:$0xC200] =	vst v63  }
0x28: {  	_ =	swait.ge [sflag:s20], $0x1000  }
0x29: {  	[sflag:s20] =	ssyncset.done $0x0  }
0x2a: {  	[sflag:s20] =	ssyncadd.s32 $0xFFFFF000  }
0x2b: {  	[spmem:s3] =	stream.indirect.scatter.add.f32 [tilespmem:s17], [sflag:$0x3], $0x20, s16, s16, $0xb8;
	[tilespmem:$0xC200] =	vst v63  }
0x2c: {  	_ =	swait.ge [sflag:s14], $0x1000  }
0x2d: {  	s24 =	sadd.s32 $0xFFFFF640, s12;
	[sflag:s14] =	ssyncset.done $0x0  }
0x2e: {  	s25 =	sadd.s32 $0xA00, s24;
	[sflag:s14] =	ssyncadd.s32 $0xFFFFF000  }
0x2f: {  	[tilespmem:s5], [sflag:$0x3] =	stream.linear.gather [hbm4b:s25+s5], $0x100, $0x38;
	[tilespmem:$0xC200] =	vst v63  }
0x30: {  	_ =	swait.ge [sflag:s14], $0x100  }
0x31: {  	[sflag:s14] =	ssyncset.done $0x0  }
0x32: {  	[sflag:s14] =	ssyncadd.s32 $0xFFFFFF00  }
0x33: {  	[tilespmem:s17], [sflag:$0x1] =	stream.indirect.gather [spmem:s4], $0x20, s5, s16, $0xb8;
	[tilespmem:$0xC200] =	vst v63  }
0x34: {  	_ =	swait.ge [sflag:s21], $0x1000  }
0x35: {  	[sflag:s21] =	ssyncset.done $0x0  }
0x36: {  	[sflag:s21] =	ssyncadd.s32 $0xFFFFF000  }
0x37: {  	[spmem:s3] =	stream.indirect.scatter.add.f32 [tilespmem:s19], [sflag:$0x3], $0x20, s22, s16, $0xb8;
	[tilespmem:$0xC200] =	vst v63  }
0x38: {  	_ =	swait.ge [sflag:s14], $0x1000  }
0x39: {  	[sflag:s14] =	ssyncset.done $0x0  }
0x3a: {  	s24 =	sadd.s32 $0xA20, s24;
	[sflag:s14] =	ssyncadd.s32 $0xFFFFF000  }
0x3b: {  	[tilespmem:s18], [sflag:$0x3] =	stream.linear.gather [hbm4b:s24+s5], $0x100, $0x38;
	[tilespmem:$0xC200] =	vst v63  }
0x3c: {  	_ =	swait.ge [sflag:s14], $0x100  }
0x3d: {  	[sflag:s14] =	ssyncset.done $0x0  }
0x3e: {  	s24 =	simm.s32 $0xFFFFF680;
	[sflag:s14] =	ssyncadd.s32 $0xFFFFFF00  }
.LBB2_2:
0x3f: {  	[tilespmem:s19], [sflag:$0x2] =	stream.indirect.gather [spmem:s4], $0x20, s18, s16, $0xb8;
	[tilespmem:$0xC200] =	vst v63  }
0x40: {  	s25 =	smov.u32 s24  }
0x41: {  	p0 =	sne.s32 s24, $0xFFFFFFC0;
	s24 =	sadd.s32 $0x40, s24;
	_ =	swait.ge [sflag:s20], $0x1000  }
0x42: {  	[sflag:s20] =	ssyncset.done $0x0  }
0x43: {  	[sflag:s20] =	ssyncadd.s32 $0xFFFFF000  }
0x44: {  	[spmem:s3] =	stream.indirect.scatter.add.f32 [tilespmem:s17], [sflag:$0x3], $0x20, s16, s16, $0xb8;
	[tilespmem:$0xC200] =	vst v63  }
0x45: {  	_ =	swait.ge [sflag:s14], $0x1000  }
0x46: {  	s25 =	sadd.s32 s25, s12;
	[sflag:s14] =	ssyncset.done $0x0  }
0x47: {  	s26 =	sadd.s32 $0xA00, s25;
	[sflag:s14] =	ssyncadd.s32 $0xFFFFF000  }
0x48: {  	[tilespmem:s5], [sflag:$0x3] =	stream.linear.gather [hbm4b:s26+s5], $0x100, $0x38;
	[tilespmem:$0xC200] =	vst v63  }
0x49: {  	_ =	swait.ge [sflag:s14], $0x100  }
0x4a: {  	[sflag:s14] =	ssyncset.done $0x0  }
0x4b: {  	[sflag:s14] =	ssyncadd.s32 $0xFFFFFF00  }
0x4c: {  	[tilespmem:s17], [sflag:$0x1] =	stream.indirect.gather [spmem:s4], $0x20, s5, s16, $0xb8;
	[tilespmem:$0xC200] =	vst v63  }
0x4d: {  	_ =	swait.ge [sflag:s21], $0x1000  }
0x4e: {  	[sflag:s21] =	ssyncset.done $0x0  }
0x4f: {  	[sflag:s21] =	ssyncadd.s32 $0xFFFFF000  }
0x50: {  	[spmem:s3] =	stream.indirect.scatter.add.f32 [tilespmem:s19], [sflag:$0x3], $0x20, s22, s16, $0xb8;
	[tilespmem:$0xC200] =	vst v63  }
0x51: {  	_ =	swait.ge [sflag:s14], $0x1000  }
0x52: {  	[sflag:s14] =	ssyncset.done $0x0  }
.Ltmp0:
0x53: {  	s25 =	sadd.s32 $0xA20, s25;
	[sflag:s14] =	ssyncadd.s32 $0xFFFFF000;
	(pc) =	sbr.rel @p0 .LBB2_2-.Ltmp0, $4  }
0x54: {  	[tilespmem:s18], [sflag:$0x3] =	stream.linear.gather [hbm4b:s25+s5], $0x100, $0x38;
	[tilespmem:$0xC200] =	vst v63  }
0x55: {  	_ =	swait.ge [sflag:s14], $0x100  }
0x56: {  	[sflag:s14] =	ssyncset.done $0x0  }
0x57: {  	[sflag:s14] =	ssyncadd.s32 $0xFFFFFF00  }
0x58: {  	[tilespmem:s19], [sflag:$0x2] =	stream.indirect.gather [spmem:s4], $0x20, s18, s16, $0xb8;
	[tilespmem:$0xC200] =	vst v63  }
0x59: {  	_ =	swait.ge [sflag:s20], $0x1000  }
0x5a: {  	[sflag:s20] =	ssyncset.done $0x0  }
0x5b: {  	[sflag:s20] =	ssyncadd.s32 $0xFFFFF000  }
0x5c: {  	[spmem:s3] =	stream.indirect.scatter.add.f32 [tilespmem:s17], [sflag:$0x3], $0x20, s16, s16, $0xb8;
	[tilespmem:$0xC200] =	vst v63  }
0x5d: {  	_ =	swait.ge [sflag:s14], $0x1000  }
0x5e: {  	[sflag:s14] =	ssyncset.done $0x0  }
0x5f: {  	[sflag:s14] =	ssyncadd.s32 $0xFFFFF000  }
0x60: {  	_ =	swait.ge [sflag:s21], $0x1000  }
0x61: {  	[sflag:s21] =	ssyncset.done $0x0  }
0x62: {  	[sflag:s21] =	ssyncadd.s32 $0xFFFFF000  }
0x63: {  	[spmem:s3] =	stream.indirect.scatter.add.f32 [tilespmem:s19], [sflag:$0x3], $0x20, s22, s16, $0xb8;
	[tilespmem:$0xC200] =	vst v63  }
0x64: {  	_ =	swait.ge [sflag:s14], $0x1000  }
0x65: {  	s23 =	sadd.s32 $0x1, s23;
	[sflag:s14] =	ssyncset.done $0x0  }
0x66: {  	p0 =	sne.s32 s23, s11;
	[sflag:s14] =	ssyncadd.s32 $0xFFFFF000  }
.Ltmp1:
0x67: {  	[bflag:$0x0] =	sbarrier.arrive $0xFFFF;
	(pc) =	sbr.rel @p0 .LBB2_1-.Ltmp1, $4  }
0x68: {  	[hbm:s10], [sflag:s6] =	dma.local [spmem:s13], $0xA00  }
0x69: {  	_ =	swait.ge [sflag:s14], $0xA00  }
0x6a: {  	[sflag:s14] =	ssyncset.done $0x0  }
0x6b: {  	[sflag:s14] =	ssyncadd.s32 $0xFFFFF600  }
0x6c: {  	_ =	sfence.sel $0x180000  }
0x6d: {  	[bflag:$0x0] =	sbarrier.arrive $0xFFFF  }
0x6e: {  	p0 =	sne.s32 s0, $0x0;
	_ =	strace $0x9000004D  }
0x6f: {  	s0 =	sadd.s32 @!p0 $0x100000, s1;
	[bflag:$0x2] =	sbarrier.arrive $0xFFFF  }
0x70: {  	[sflag:s0] =	ssyncadd.tile.s32 @!p0 $0x1;
	_ =	shalt  }
.Lfunc_end2:
_tile_overlayer_lowered:
.L_overlay_start_2:
0x71: {  	(tag) =	ssettag $0x2  }
0x72: {  	s0 =	rddreg [dreg:$0x0];
	s2 =	stileid.u32  }
0x73: {  	s1 =	rddreg [dreg:$0x1];
	p0 =	sne.s32 s2, $0x0  }
0x74: {  	s3 =	rddreg [dreg:$0x2];
	[bflag:$0x3] =	sbarrier.arrive $0xFFFF;
	s2 =	simm.s32 @!p0 $0x1C03  }
0x75: {  	[timem:s3], [sflag:s2] =	dma.local @!p0 [hbm:s0], s1  }
0x76: {  	s0 =	simm.s32 @!p0 $0x3  }
0x77: {  	_ =	swait.ge @!p0 [sflag:s0], s1  }
0x78: {  	s1 =	ssub.s32 @!p0 $0x0, s1;
	[sflag:s0] =	ssyncset.done @!p0 $0x0  }
0x79: {  	[sflag:s0] =	ssyncadd.s32 @!p0 s1  }
0x7a: {  	[bflag:$0x3] =	sbarrier.arrive $0xFFFF  }
0x7b: {  	_ =	shalt  }

// kernel: kernel.9.cloned.1.call-start
scs
__scs_entry_jumppad:
0x0: {  	(pc) =	sbr.rel $0x88, $3  }
0x1: {  	(tag) =	ssettag $0x0;
	lr =	simm.s32 $0x1  }
0x2: {  	[smem:$0x3F95] =	sst lr;
	_ =	strace $0xD0000000  }
0x3: {  	_ = 	snop  }
0x4: {  	_ = 	snop  }
0x5: {  	_ = 	snop  }
0x6: {  	_ = 	snop  }
0x7: {  	_ = 	snop  }
__scs_overlays_trampoline_lowered:
0x8: {  	[smem:$0x3FA4] =	sst s0  }
0x9: {  	[smem:$0x3FA5] =	sst s1  }
0xa: {  	[smem:$0x3FA6] =	sst s2  }
0xb: {  	[smem:$0x3FA7] =	sst s3  }
0xc: {  	[smem:$0x3FA8] =	sst s4  }
0xd: {  	[smem:$0x3FA9] =	sst s5  }
0xe: {  	[smem:$0x3FAA] =	sst s6  }
0xf: {  	[smem:$0x3FAB] =	sst s7  }
0x10: {  	[smem:$0x3FAC] =	sst s8  }
0x11: {  	[smem:$0x3FAD] =	sst s9;
	s0 =	simm.s32 @!p0 $0x0  }
0x12: {  	s1 =	sld [smem:$0x3F93];
	s0 =	simm.s32 @p0 $0x1  }
0x13: {  	[smem:$0x3FAE] =	sst s0;
	s0 =	simm.s32 @!p1 $0x0  }
0x14: {  	s2 =	sld [smem:$0x3F92];
	s0 =	simm.s32 @p1 $0x1  }
0x15: {  	[smem:$0x3FAF] =	sst s0;
	s0 =	simm.s32 @!p2 $0x0  }
0x16: {  	s3 =	sld [smem:$0x3FDB];
	s0 =	simm.s32 @p2 $0x1  }
0x17: {  	s4 =	simm.s32 $0x1BF5;
	[smem:$0x3FB1] =	sst s0  }
0x18: {  	s0 =	sld [smem:$0x3F94];
	_ =	swait.ge [sflag:s4], $0x0  }
0x19: {  	s7 =	sld [smem:$0x3F95]  }
0x1a: {  	s8 =	sadd.s32 $0xFFFFE003, lr  }
0x1b: {  	s9 =	sadd.s32 $0xFFFFFEF7, lr;
	s5 =	simm.s32 $0xFFFFFFFF;
	p2 =	slt.u32 s8, $0xFFFFF086  }
0x1c: {  	p1 =	slt.u32 s9, $0xF7A;
	s5 =	simm.s32 @!p2 $0x0  }
0x1d: {  	s5 =	simm.s32 @p1 $0x1;
	p0 =	seq.s32 s7, s2  }
0x1e: {  	s7 =	smul.u32 @!p0 $0xF7A, s2;
	p2 =	seq.s32 @!p0 s5, $0x0  }
0x1f: {  	s9 =	smul.u32 $0xF7A, s1;
	s8 =	simm.s32 @!p0 $0x1BF5;
	p2 =	por !p2, p0  }
0x20: {  	[sflag:s8] =	ssyncset.s32 @!p0 $0xFFFFF086;
	s6 =	sadd.s32 @!p0 s3, s7;
	s7 =	simm.s32 @!p0 $0x108  }
0x21: {  	s3 =	sadd.s32 s3, s9;
	s6 =	sadd.s32 @!p0 $0x88, s6;
	s7 =	simm.s32 @p2 $0x1082  }
0x22: {  	[simem:s7], [sflag:s8] =	dma.local @!p0 [hbm:s6], $0xF7A  }
0x23: {  	s9 =	sor.u32 $0xD0000000, s2;
	s6 =	simm.s32 $0x108;
	_ =	swait.ge @!p0 [sflag:s8], $0x0  }
0x24: {  	s3 =	sadd.s32 $0x88, s3;
	s6 =	simm.s32 @!p1 $0x1082;
	[sflag:s4] =	ssyncset.s32 $0xFFFFF086  }
0x25: {  	[simem:s6], [sflag:s4] =	dma.local [hbm:s3], $0xF7A  }
0x26: {  	[smem:$0x3F95] =	sst s1;
	(tag) =	ssettag s2;
	_ =	strace s9  }
0x27: {  	s1 =	sld [smem:$0x3FA5]  }
0x28: {  	s2 =	sld [smem:$0x3FA6]  }
0x29: {  	s4 =	sld [smem:$0x3FA8]  }
0x2a: {  	p0 =	seq.s32 s5, $0x0;
	s5 =	sld [smem:$0x3FA9]  }
0x2b: {  	s6 =	sld [smem:$0x3FAA]  }
0x2c: {  	s7 =	sld [smem:$0x3FAB]  }
0x2d: {  	s3 =	simm.s32 $0x108;
	s8 =	sld [smem:$0x3FAC]  }
0x2e: {  	s3 =	simm.s32 @!p0 $0x1082;
	s9 =	sld [smem:$0x3FAD]  }
0x2f: {  	lr =	sadd.s32 s0, s3;
	s0 =	sld [smem:$0x3FA4]  }
0x30: {  	s3 =	sld [smem:$0x3FA7]  }
0x31: {  	[smem:$0x3FB0] =	sst s10  }
0x32: {  	s10 =	sld [smem:$0x3FAE];
	_ =	sdelay $0x3  }
0x33: {  	p0 =	seq.s32 s10, $0x1;
	s10 =	sld [smem:$0x3FB0];
	_ =	sdelay $0x3  }
0x34: {  	[smem:$0x3FB0] =	sst s10  }
0x35: {  	s10 =	sld [smem:$0x3FAF];
	_ =	sdelay $0x3  }
0x36: {  	p1 =	seq.s32 s10, $0x1;
	s10 =	sld [smem:$0x3FB0];
	_ =	sdelay $0x3  }
0x37: {  	[smem:$0x3FB0] =	sst s10  }
0x38: {  	s10 =	sld [smem:$0x3FB1]  }
0x39: {  	_ = 	snop;
	(pc) =	sbr.ind lr, $3  }
0x3a: {  	_ = 	snop  }
0x3b: {  	_ = 	snop  }
0x3c: {  	p2 =	seq.s32 s10, $0x1;
	s10 =	sld [smem:$0x3FB0]  }
0x3d: {  	_ =	shalt  }
0x3e: {  	_ =	shalt  }
0x3f: {  	_ =	shalt  }
0x40: {  	_ =	shalt  }
0x41: {  	_ =	shalt  }
0x42: {  	_ =	shalt  }
0x43: {  	_ =	shalt  }
0x44: {  	_ =	shalt  }
0x45: {  	_ =	shalt  }
0x46: {  	_ =	shalt  }
0x47: {  	_ =	shalt  }
0x48: {  	_ =	shalt  }
0x49: {  	_ =	shalt  }
0x4a: {  	_ =	shalt  }
0x4b: {  	_ =	shalt  }
0x4c: {  	_ =	shalt  }
0x4d: {  	_ =	shalt  }
0x4e: {  	_ =	shalt  }
0x4f: {  	_ =	shalt  }
0x50: {  	_ =	shalt  }
0x51: {  	_ =	shalt  }
0x52: {  	_ =	shalt  }
0x53: {  	_ =	shalt  }
0x54: {  	_ =	shalt  }
0x55: {  	_ =	shalt  }
0x56: {  	_ =	shalt  }
0x57: {  	_ =	shalt  }
0x58: {  	_ =	shalt  }
0x59: {  	_ =	shalt  }
0x5a: {  	_ =	shalt  }
0x5b: {  	_ =	shalt  }
0x5c: {  	_ =	shalt  }
0x5d: {  	_ =	shalt  }
0x5e: {  	_ =	shalt  }
0x5f: {  	_ =	shalt  }
0x60: {  	_ =	shalt  }
0x61: {  	_ =	shalt  }
0x62: {  	_ =	shalt  }
0x63: {  	_ =	shalt  }
0x64: {  	_ =	shalt  }
0x65: {  	_ =	shalt  }
0x66: {  	_ =	shalt  }
0x67: {  	_ =	shalt  }
0x68: {  	_ =	shalt  }
0x69: {  	_ =	shalt  }
0x6a: {  	_ =	shalt  }
0x6b: {  	_ =	shalt  }
0x6c: {  	_ =	shalt  }
0x6d: {  	_ =	shalt  }
0x6e: {  	_ =	shalt  }
0x6f: {  	_ =	shalt  }
0x70: {  	_ =	shalt  }
0x71: {  	_ =	shalt  }
0x72: {  	_ =	shalt  }
0x73: {  	_ =	shalt  }
0x74: {  	_ =	shalt  }
0x75: {  	_ =	shalt  }
0x76: {  	_ =	shalt  }
0x77: {  	_ =	shalt  }
0x78: {  	_ =	shalt  }
0x79: {  	_ =	shalt  }
0x7a: {  	_ =	shalt  }
0x7b: {  	_ =	shalt  }
0x7c: {  	_ =	shalt  }
0x7d: {  	_ =	shalt  }
0x7e: {  	_ =	shalt  }
0x7f: {  	_ =	shalt  }
0x80: {  	_ =	shalt  }
0x81: {  	_ =	shalt  }
0x82: {  	_ =	shalt  }
0x83: {  	_ =	shalt  }
0x84: {  	_ =	shalt  }
0x85: {  	_ =	shalt  }
0x86: {  	_ =	shalt  }
0x87: {  	_ =	shalt  }
.Lfunc_end0:
.L_simem_size_0:
called_computation_lowered:
.L_overlay_start_0:
0x88: {  	s2 =	sld [smem:$0x3FD9]  }
0x89: {  	s3 =	sld [smem:$0x3FFE];
	_ =	sdelay $0x1  }
0x8a: {  	s1 =	srdreg.scid  }
0x8b: {  	s0 =	sand.u32 $0x1, s1  }
0x8c: {  	s14 =	sshll.u32 s0, $0xA;
	s2 =	sadd.s32 s3, s2  }
0x8d: {  	s2 =	sadd.s32 s2, s14  }
0x8e: {  	[smem:$0x3FBC] =	sst s2  }
0x8f: {  	_ = 	snop  }
0x90: {  	s2 =	sld [smem:$0x3FD0];
	_ =	sdelay $0x2  }
0x91: {  	s15 =	simm.s32 $0xA;
	s4 =	simm.s32 $0x10  }
0x92: {  	[smem:s4], [sflag:s15] =	dma.local [hbm:s2], $0x1  }
0x93: {  	_ =	swait.eq [sflag:s15], $0x1  }
0x94: {  	s16 =	sld [smem:$0x10];
	[sflag:s15] =	ssyncset.done $0x0  }
0x95: {  	s17 =	sld [smem:$0x12];
	[sflag:s15] =	ssyncadd.s32 $0xFFFFFFFF  }
0x96: {  	s18 =	sld [smem:$0x13];
	(tm) =	ssettm $0x1  }
0x97: {  	s5 =	sld [smem:$0x3FFB];
	_ =	sdelay $0x3  }
0x98: {  	_ =	strace s5  }
0x99: {  	s5 =	sld [smem:$0x3FFC];
	_ =	sdelay $0x3  }
0x9a: {  	_ =	strace s5  }
0x9b: {  	s5 =	sld [smem:$0x3FFD];
	_ =	sdelay $0x3  }
0x9c: {  	_ =	strace s5  }
0x9d: {  	_ =	strace $0x8FFFFFFF  }
0x9e: {  	s19 =	sld [smem:$0x3FDB];
	_ =	sdelay $0x1  }
0x9f: {  	s6 =	simm.s32 $_scs_section_size  }
0xa0: {  	s7 =	simm.s32 $_size__tile_overlayer_lowered;
	s8 =	simm.s32 $_tile_overlayer_lowered  }
0xa1: {  	s22 =	simm.s32 $0x1BFF;
	s21 =	sshll.u32 s8, $0x1;
	s5 =	sadd.s32 s6, s19  }
0xa2: {  	s9 =	simm.s32 $0x0;
	s20 =	sshll.u32 s7, $0x1;
	s7 =	sadd.s32 s21, s5  }
0xa3: {  	[timem:s9], [sflag:s22] =	dma.local [hbm:s7], s20  }
0xa4: {  	_ =	swait.ge [sflag:s22], s20  }
0xa5: {  	s6 =	ssub.s32 $0x0, s20;
	[sflag:s22] =	ssyncset.done $0x0  }
0xa6: {  	[sflag:s22] =	ssyncadd.s32 s6;
	_ =	sdelay $0x1  }
0xa7: {  	s23 =	simm.s32 $0x1B8B  }
0xa8: {  	_ =	swait.ge [sflag:s23], $0x1  }
0xa9: {  	[sflag:s23] =	ssyncset.done $0x0  }
0xaa: {  	s25 =	simm.s32 $0x1B8E;
	s24 =	sld [smem:$0x3FFE];
	[sflag:s23] =	ssyncadd.s32 $0xFFFFFFFF  }
0xab: {  	s26 =	simm.s32 $execute0_lowered;
	[smem:$0x3FD2] =	sst s25  }
0xac: {  	s7 =	sshll.u32 s26, $0x1;
	_ =	strace $0x80000046;
	[dreg:$0x1] =	wrdreg $0xFFFFFFFF  }
0xad: {  	s28 =	simm.s32 $_size_execute0_lowered;
	s5 =	sadd.s32 s5, s7;
	[dreg:$0x0] =	wrdreg $0x0  }
0xae: {  	s7 =	sshll.u32 s28, $0x1;
	[dreg:$0x2] =	wrdreg s5  }
0xaf: {  	[dreg:$0x3] =	wrdreg s7  }
0xb0: {  	[dreg:$0x4] =	wrdreg $0xC0  }
0xb1: {  	_ =	task [dreg:s9], $0x5FFFF  }
0xb2: {  	[dreg:$0x1] =	wrdreg $0xFFFFFFFF  }
0xb3: {  	[dreg:$0x0] =	wrdreg $0x60  }
0xb4: {  	[dreg:$0x2] =	wrdreg s16  }
0xb5: {  	[dreg:$0x3] =	wrdreg s17  }
0xb6: {  	[dreg:$0x4] =	wrdreg s18  }
0xb7: {  	[dreg:$0x5] =	wrdreg s24  }
0xb8: {  	[dreg:$0x6] =	wrdreg $0x5000  }
0xb9: {  	[dreg:$0x7] =	wrdreg $0x9  }
0xba: {  	_ =	task.clear_ibuf [dreg:s9], $0x8FFFF;
	_ =	strace $0x90000046  }
0xbb: {  	s29 =	simm.s32 $0x9;
	_ =	strace $0x80000048  }
0xbc: {  	_ =	swait.ge [sflag:s29], $0x1  }
0xbd: {  	[sflag:s29] =	ssyncadd.s32 $0xFFFFFFFF  }
0xbe: {  	_ =	strace $0x90000048  }
0xbf: {  	_ =	sfence  }
0xc0: {  	s30 =	sld [smem:$0x0];
	_ =	sdelay $0x2  }
0xc1: {  	s31 =	sshll.u32 s1, $0xD;
	s1 =	sshrl.u32 s1, $0x2  }
0xc2: {  	s3 =	sand.u32 $0x4000, s31;
	s1 =	sadd.s32 s1, s30  }
0xc3: {  	s0 =	sor.u32 s3, s0;
	s1 =	sshll.u32 s1, $0x11  }
0xc4: {  	s0 =	sor.u32 s1, s0  }
0xc5: {  	s0 =	sadd.s32 $0x8F2B, s0  }
0xc6: {  	[sflag:s0] =	ssyncadd.remote.s32 $0x1  }
0xc7: {  	_ =	sfence.sel $0xFFFF  }
0xc8: {  	[dreg:$0x0] =	wrdreg $0xFFFFFFFF;
	(pc) =	sbr.abs _section_cstart, $3  }
0xc9: {  	[dreg:$0x1] =	wrdreg $0xFFFFFFFF  }
0xca: {  	_ =	task.clear_ibuf [dreg:s9], $0x2FFFF;
	_ =	strace $0x9FFFFFFF  }
0xcb: {  	(tm) =	ssettm $0x7FFFFFFF  }
tec
execute0_lowered:
.L_overlay_start_1:
0x0: {  	(tag) =	ssettag $0x1  }
0x1: {  	s10 =	rddreg [dreg:$0x0]  }
0x2: {  	s1 =	rddreg [dreg:$0x1]  }
0x3: {  	s2 =	rddreg [dreg:$0x2]  }
0x4: {  	s6 =	rddreg [dreg:$0x3]  }
0x5: {  	s3 =	rddreg [dreg:$0x4]  }
0x6: {  	s0 =	rddreg [dreg:$0x5]  }
0x7: {  	s5 =	simm.s32 $0x0;
	s7 =	srdreg.scid;
	s4 =	stileid.u32  }
0x8: {  	s15 =	simm.s32 $0x80;
	s16 =	simm.s32 $0x1;
	s8 =	smul.u32 $0x280, s4  }
0x9: {  	s17 =	simm.s32 $0x2;
	s18 =	simm.s32 $0x0;
	s13 =	smul.u32 $0x5000, s4  }
0xa: {  	[smem:$0x7FF] =	sst s5;
	s7 =	sand.u32 $0x1, s7;
	s31 =	smul.u32 $0xA00, s4  }
0xb: {  	s26 =	sshll.u32 s4, $0x6;
	_ =	strace $0x80000047;
	s28 =	smul.u32 $0x2800, s7  }
0xc: {  	s9 =	ssub.s32 $0x2, s7;
	s11 =	sshll.u32 s7, $0x4;
	s29 =	smul.u32 $0xA000, s7  }
0xd: {  	s12 =	sshrl.u32 s9, $0x1;
	s11 =	sor.u32 s4, s11;
	s8 =	sadd.s32 s8, s6  }
0xe: {  	s25 =	sshrl.u32 s13, $0x2;
	s6 =	sor.u32 $0x1C03, s26;
	s13 =	simm.s32 $0x3  }
0xf: {  	s12 =	ssub.s32 s9, s12;
	s24 =	smul.u32 $0xA00, s11;
	s30 =	sadd.s32 s28, s8  }
0x10: {  	s14 =	sadd.s32 s25, s3;
	s11 =	sadd.s32 s29, s10;
	s9 =	sadd.s32 $0x16800, s30  }
0x11: {  	s11 =	sadd.s32 s31, s11;
	s7 =	sadd.s32 s10, s24;
	s10 =	smax.u32 s12, $0x1  }
0x12: {  	s12 =	sshrl.u32 s14, $0x3;
	s14 =	simm.s32 $0x100;
	s8 =	sadd.s32 $0x10, s7  }
.LBB2_1:
0x13: {  	[spmem:s12], [sflag:s6] =	dma.local [hbm:s2], $0x280  }
0x14: {  	_ =	swait.ge [sflag:s13], $0x280  }
0x15: {  	[sflag:s13] =	ssyncset.done $0x0  }
0x16: {  	[sflag:s13] =	ssyncadd.s32 $0xFFFFFD80  }
0x17: {  	[tilespmem:s14], [sflag:$0x3] =	stream.linear.gather [hbm4b:s1+s5], $0x400, $0x38;
	[tilespmem:$0x1900] =	vst v63  }
0x18: {  	_ =	swait.ge [sflag:s13], $0x400  }
0x19: {  	[sflag:s13] =	ssyncset.done $0x0  }
0x1a: {  	[sflag:s13] =	ssyncadd.s32 $0xFFFFFC00  }
0x1b: {  	[bflag:$0x0] =	sbarrier.arrive $0xFFFF  }
0x1c: {  	[tilespmem:s5], [sflag:$0x1] =	stream.linear.gather [hbm4b:s7+s5], $0x80, $0x38;
	[tilespmem:$0x1900] =	vst v63  }
0x1d: {  	_ = 	snop  }
0x1e: {  	[tilespmem:s15], [sflag:$0x2] =	stream.linear.gather [hbm4b:s8+s5], $0x80, $0x38;
	[tilespmem:$0x1900] =	vst v63  }
0x1f: {  	_ =	swait.ge [sflag:s16], $0x80  }
0x20: {  	[sflag:s16] =	ssyncset.done $0x0  }
0x21: {  	[sflag:s16] =	ssyncadd.s32 $0xFFFFFF80  }
0x22: {  	[spmem:s3] =	stream.indirect.scatter.add.f32 [tilespmem:s14], [sflag:$0x3], $0x8, s5, s15, $0xb8;
	[tilespmem:$0x1900] =	vst v63  }
0x23: {  	_ =	swait.ge [sflag:s13], $0x400  }
0x24: {  	s20 =	sadd.s32 $0xFFFFF620, s11;
	[sflag:s13] =	ssyncset.done $0x0  }
0x25: {  	s19 =	sadd.s32 $0xA00, s20;
	[sflag:s13] =	ssyncadd.s32 $0xFFFFFC00  }
0x26: {  	[tilespmem:s5], [sflag:$0x1] =	stream.linear.gather [hbm4b:s19+s5], $0x80, $0x38;
	[tilespmem:$0x1900] =	vst v63  }
0x27: {  	_ =	swait.ge [sflag:s17], $0x80  }
0x28: {  	[sflag:s17] =	ssyncset.done $0x0  }
0x29: {  	[sflag:s17] =	ssyncadd.s32 $0xFFFFFF80  }
0x2a: {  	[spmem:s3] =	stream.indirect.scatter.add.f32 [tilespmem:s14], [sflag:$0x3], $0x8, s15, s15, $0xb8;
	[tilespmem:$0x1900] =	vst v63  }
0x2b: {  	_ =	swait.ge [sflag:s13], $0x400  }
0x2c: {  	[sflag:s13] =	ssyncset.done $0x0  }
0x2d: {  	s20 =	sadd.s32 $0xA10, s20;
	s19 =	simm.s32 $0xFFFFF640;
	[sflag:s13] =	ssyncadd.s32 $0xFFFFFC00  }
.LBB2_2:
0x2e: {  	[tilespmem:s15], [sflag:$0x2] =	stream.linear.gather [hbm4b:s20+s5], $0x80, $0x38;
	[tilespmem:$0x1900] =	vst v63  }
0x2f: {  	s20 =	smov.u32 s19  }
0x30: {  	p0 =	sne.s32 s19, $0xFFFFFFE0;
	s19 =	sadd.s32 $0x20, s19;
	_ =	swait.ge [sflag:s16], $0x80  }
0x31: {  	[sflag:s16] =	ssyncset.done $0x0  }
0x32: {  	[sflag:s16] =	ssyncadd.s32 $0xFFFFFF80  }
0x33: {  	[spmem:s3] =	stream.indirect.scatter.add.f32 [tilespmem:s14], [sflag:$0x3], $0x8, s5, s15, $0xb8;
	[tilespmem:$0x1900] =	vst v63  }
0x34: {  	_ =	swait.ge [sflag:s13], $0x400  }
0x35: {  	s20 =	sadd.s32 s20, s11;
	[sflag:s13] =	ssyncset.done $0x0  }
0x36: {  	s21 =	sadd.s32 $0xA00, s20;
	[sflag:s13] =	ssyncadd.s32 $0xFFFFFC00  }
0x37: {  	[tilespmem:s5], [sflag:$0x1] =	stream.linear.gather [hbm4b:s21+s5], $0x80, $0x38;
	[tilespmem:$0x1900] =	vst v63  }
0x38: {  	_ =	swait.ge [sflag:s17], $0x80  }
0x39: {  	[sflag:s17] =	ssyncset.done $0x0  }
.Ltmp0:
0x3a: {  	[sflag:s17] =	ssyncadd.s32 $0xFFFFFF80;
	(pc) =	sbr.rel @p0 .LBB2_2-.Ltmp0, $4  }
0x3b: {  	[spmem:s3] =	stream.indirect.scatter.add.f32 [tilespmem:s14], [sflag:$0x3], $0x8, s15, s15, $0xb8;
	[tilespmem:$0x1900] =	vst v63  }
0x3c: {  	_ =	swait.ge [sflag:s13], $0x400  }
0x3d: {  	[sflag:s13] =	ssyncset.done $0x0  }
0x3e: {  	s20 =	sadd.s32 $0xA10, s20;
	[sflag:s13] =	ssyncadd.s32 $0xFFFFFC00  }
0x3f: {  	[tilespmem:s15], [sflag:$0x2] =	stream.linear.gather [hbm4b:s20+s5], $0x80, $0x38;
	[tilespmem:$0x1900] =	vst v63  }
0x40: {  	_ =	swait.ge [sflag:s16], $0x80  }
0x41: {  	[sflag:s16] =	ssyncset.done $0x0  }
0x42: {  	[sflag:s16] =	ssyncadd.s32 $0xFFFFFF80  }
0x43: {  	[spmem:s3] =	stream.indirect.scatter.add.f32 [tilespmem:s14], [sflag:$0x3], $0x8, s5, s15, $0xb8;
	[tilespmem:$0x1900] =	vst v63  }
0x44: {  	_ =	swait.ge [sflag:s13], $0x400  }
0x45: {  	[sflag:s13] =	ssyncset.done $0x0  }
0x46: {  	[sflag:s13] =	ssyncadd.s32 $0xFFFFFC00  }
0x47: {  	_ =	swait.ge [sflag:s17], $0x80  }
0x48: {  	[sflag:s17] =	ssyncset.done $0x0  }
0x49: {  	[sflag:s17] =	ssyncadd.s32 $0xFFFFFF80  }
0x4a: {  	[spmem:s3] =	stream.indirect.scatter.add.f32 [tilespmem:s14], [sflag:$0x3], $0x8, s15, s15, $0xb8;
	[tilespmem:$0x1900] =	vst v63  }
0x4b: {  	_ =	swait.ge [sflag:s13], $0x400  }
0x4c: {  	s18 =	sadd.s32 $0x1, s18;
	[sflag:s13] =	ssyncset.done $0x0  }
0x4d: {  	p0 =	sne.s32 s18, s10;
	[sflag:s13] =	ssyncadd.s32 $0xFFFFFC00  }
.Ltmp1:
0x4e: {  	[bflag:$0x0] =	sbarrier.arrive $0xFFFF;
	(pc) =	sbr.rel @p0 .LBB2_1-.Ltmp1, $4  }
0x4f: {  	[hbm:s9], [sflag:s6] =	dma.local [spmem:s12], $0x280  }
0x50: {  	_ =	swait.ge [sflag:s13], $0x280  }
0x51: {  	[sflag:s13] =	ssyncset.done $0x0  }
0x52: {  	[sflag:s13] =	ssyncadd.s32 $0xFFFFFD80  }
0x53: {  	_ =	sfence.sel $0x180000  }
0x54: {  	[bflag:$0x0] =	sbarrier.arrive $0xFFFF  }
0x55: {  	p0 =	sne.s32 s4, $0x0;
	_ =	strace $0x90000047  }
0x56: {  	s0 =	sadd.s32 @!p0 $0x100000, s0;
	[bflag:$0x2] =	sbarrier.arrive $0xFFFF  }
0x57: {  	[sflag:s0] =	ssyncadd.tile.s32 @!p0 $0x1;
	_ =	shalt  }
.Lfunc_end2:
_tile_overlayer_lowered:
.L_overlay_start_2:
0x58: {  	(tag) =	ssettag $0x2  }
0x59: {  	s0 =	rddreg [dreg:$0x0];
	s2 =	stileid.u32  }
0x5a: {  	s1 =	rddreg [dreg:$0x1];
	p0 =	sne.s32 s2, $0x0  }
0x5b: {  	s3 =	rddreg [dreg:$0x2];
	[bflag:$0x3] =	sbarrier.arrive $0xFFFF;
	s2 =	simm.s32 @!p0 $0x1C03  }
0x5c: {  	[timem:s3], [sflag:s2] =	dma.local @!p0 [hbm:s0], s1  }
0x5d: {  	s0 =	simm.s32 @!p0 $0x3  }
0x5e: {  	_ =	swait.ge @!p0 [sflag:s0], s1  }
0x5f: {  	s1 =	ssub.s32 @!p0 $0x0, s1;
	[sflag:s0] =	ssyncset.done @!p0 $0x0  }
0x60: {  	[sflag:s0] =	ssyncadd.s32 @!p0 s1  }
0x61: {  	[bflag:$0x3] =	sbarrier.arrive $0xFFFF  }
0x62: {  	_ =	shalt  }

</sc_bundles>
